<compile_context>
chip_gen: v7x
topology: tpu7x:2x2x1
jax: 0.10.2.dev20260603
libtpu: 0.0.44.dev20260713+nightly
codegen_flags: <defaults>
</compile_context>

<pallas_src>
import jax
import jax.numpy as jnp
from jax import lax
from jax.experimental import pallas as pl
from jax.experimental.pallas import tpu as pltpu
from jax.experimental.pallas import tpu_sc as plsc

N = 10000
K = 256
D = 128
BK = 64
BN = 2000

NC = 2
NS = 16
NW = NC * NS
CH = 128
NCHF = N // CH
CT = N - NCHF * CH


def _sub_sc_body(x_hbm, e_hbm, g_hbm, xbuf, ebuf, semx, seme):
    c = lax.axis_index("c")
    s = lax.axis_index("s")
    w = s * NC + c
    nchunks = (NCHF - w + NW - 1) // NW

    def do_chunk(r0, rows):
        cx = pltpu.async_copy(x_hbm.at[pl.ds(r0, rows)], xbuf.at[pl.ds(0, rows)], semx)
        ce = pltpu.async_copy(e_hbm.at[pl.ds(r0, rows)], ebuf.at[pl.ds(0, rows)], seme)
        cx.wait()
        ce.wait()

        def row_body(r, _):
            for dc in range(D // 16):
                sl = pl.ds(dc * 16, 16)
                ebuf[r, sl] = ebuf[r, sl] - xbuf[r, sl]
            return 0

        lax.fori_loop(0, rows, row_body, 0)
        pltpu.sync_copy(ebuf.at[pl.ds(0, rows)], g_hbm.at[pl.ds(r0, rows)])

    def chunk_body(i, _):
        do_chunk((w + i * NW) * CH, CH)
        return 0

    lax.fori_loop(0, nchunks, chunk_body, 0)

    @pl.when(w == NW - 1)
    def _tail():
        do_chunk(NCHF * CH, CT)


def _tmp_body(tar_ref, x_ref, tmp_ref, xbf_ref):
    @pl.when(pl.program_id(0) == 0)
    def _():
        xbf_ref[...] = x_ref[...].astype(jnp.bfloat16)

    tmp_ref[...] = jnp.dot(
        tar_ref[...].astype(jnp.bfloat16),
        xbf_ref[...],
        preferred_element_type=jnp.float32,
    )


def _out_body(src_a_ref, src_b_ref, tmp_ref, g_ref, out_ref):
    out_ref[...] = (
        jnp.dot(src_a_ref[...], tmp_ref[: K // 2, :], preferred_element_type=jnp.float32)
        + jnp.dot(src_b_ref[...], tmp_ref[K // 2 :, :], preferred_element_type=jnp.float32)
        + g_ref[...]
    )


def kernel(t, x, HG_poi_src, HG_poi_tar, e):
    del t
    mesh = plsc.VectorSubcoreMesh(core_axis_name="c", subcore_axis_name="s")
    g = pl.kernel(
        _sub_sc_body,
        out_type=jax.ShapeDtypeStruct((N, D), jnp.float32),
        mesh=mesh,
        scratch_types=[
            pltpu.VMEM((CH, D), jnp.float32),
            pltpu.VMEM((CH, D), jnp.float32),
            pltpu.SemaphoreType.DMA,
            pltpu.SemaphoreType.DMA,
        ],
    )(x, e)

    tmp = pl.pallas_call(
        _tmp_body,
        grid=(K // BK,),
        in_specs=[
            pl.BlockSpec((BK, N), lambda i: (i, 0)),
            pl.BlockSpec((N, D), lambda i: (0, 0)),
        ],
        out_specs=pl.BlockSpec((BK, D), lambda i: (i, 0)),
        out_shape=jax.ShapeDtypeStruct((K, D), jnp.float32),
        scratch_shapes=[pltpu.VMEM((N, D), jnp.bfloat16)],
    )(HG_poi_tar, x)

    f = pl.pallas_call(
        _out_body,
        grid=(N // BN,),
        in_specs=[
            pl.BlockSpec((BN, K // 2), lambda i: (i, 0)),
            pl.BlockSpec((BN, K // 2), lambda i: (i, 1)),
            pl.BlockSpec((K, D), lambda i: (0, 0)),
            pl.BlockSpec((BN, D), lambda i: (i, 0)),
        ],
        out_specs=pl.BlockSpec((BN, D), lambda i: (i, 0)),
        out_shape=jax.ShapeDtypeStruct((N, D), jnp.float32),
    )(HG_poi_src, HG_poi_src, tmp, g)
    return f

# --- scband reference (transcript-rebuilt; emitter-appended) ---
"""Pipeline reference for scband-p2-p-odefunc-18854906429539 (READ-ONLY COPY).

The authoritative reference and input builder live on the scoring server;
editing this copy changes nothing except your own understanding.
"""

import jax, jax.numpy as jnp
import numpy as np

N = 10000
K = 256
D = 128

def setup_inputs(seed: int = 0) -> dict:
    key = jax.random.key(seed)
    k1, k2, k3, k4 = jax.random.split(key, 4)
    t = jnp.zeros((1,), dtype=jnp.float32)
    x = jax.random.normal(k1, (N, D), dtype=jnp.float32)
    # hypergraph incidence matrices: sparse binary, stored dense (module calls .to_dense())
    HG_poi_src = (jax.random.uniform(k2, (N, K)) < 0.02).astype(jnp.float32)
    HG_poi_tar = (jax.random.uniform(k3, (K, N)) < 0.02).astype(jnp.float32)
    e = jax.random.normal(k4, (N, D), dtype=jnp.float32)
    return {"t": t, "x": x, "HG_poi_src": HG_poi_src, "HG_poi_tar": HG_poi_tar, "e": e}

def reference(t, x, HG_poi_src, HG_poi_tar, e):
    # A = HG_poi_src @ HG_poi_tar (dense N x N propagation matrix)
    A = HG_poi_src @ HG_poi_tar
    I = jnp.eye(A.shape[0], dtype=A.dtype)
    propag_pois_embs = (A - I) @ x
    f = propag_pois_embs + e
    return f

if __name__ == "__main__":
    import jax
    _d = setup_inputs()
    print(jax.jit(kernel)(*tuple(_d.values())))

</pallas_src>

<mosaic_0001>
#map = affine_map<(d0, d1) -> (0, 0)>
module attributes {stable_mosaic.version = 14 : i64} {
  func.func @_sub_sc_body(%arg0: i32, %arg1: i32, %arg2: memref<10000x128xf32, #tpu.memory_space<hbm>>, %arg3: memref<10000x128xf32, #tpu.memory_space<hbm>>, %arg4: memref<10000x128xf32, #tpu.memory_space<hbm>>, %arg5: memref<128x128xf32, #tpu.memory_space<vmem>>, %arg6: memref<128x128xf32, #tpu.memory_space<vmem>>, %arg7: memref<!tpu.dma_semaphore, #tpu.memory_space<semaphore_mem>>, %arg8: memref<!tpu.dma_semaphore, #tpu.memory_space<semaphore_mem>>) attributes {dimension_semantics = [#tpu.dimension_semantics<core_parallel>, #tpu.dimension_semantics<subcore_parallel>], iteration_bounds = array<i64: 2, 16>, scalar_prefetch = 0 : i64, scratch_operands = 4 : i64, tpu.core_type = #tpu.core_type<sc_vector_subcore>, window_params = [{transform_indices = #map}, {transform_indices = #map}, {transform_indices = #map}]} {
    %mul3A = arith.constant 2 : i32
    %mul3A_0 = arith.muli %arg1, %mul3A : i32
    %add3A = arith.addi %mul3A_0, %arg0 : i32
    %sub3A = arith.constant 78 : i32
    %sub3A_1 = arith.subi %sub3A, %add3A : i32
    %add3A_2 = arith.constant 32 : i32
    %add3A_3 = arith.addi %sub3A_1, %add3A_2 : i32
    %sub3A_4 = arith.constant 1 : i32
    %sub3A_5 = arith.subi %add3A_3, %sub3A_4 : i32
    %jit3A = arith.constant 32 : i32
    %div3A = arith.divsi %sub3A_5, %jit3A : i32
    %sign3A = arith.constant 0 : i32
    %sign3A_6 = arith.cmpi sgt, %sub3A_5, %sign3A : i32
    %sign3A_7 = arith.extui %sign3A_6 : i1 to i32
    %sign3A_8 = arith.constant 0 : i32
    %sign3A_9 = arith.cmpi slt, %sub3A_5, %sign3A_8 : i32
    %sign3A_10 = arith.extui %sign3A_9 : i1 to i32
    %sign3A_11 = arith.subi %sign3A_7, %sign3A_10 : i32
    %sign3A_12 = arith.constant 0 : i32
    %sign3A_13 = arith.cmpi sgt, %jit3A, %sign3A_12 : i32
    %sign3A_14 = arith.extui %sign3A_13 : i1 to i32
    %sign3A_15 = arith.constant 0 : i32
    %sign3A_16 = arith.cmpi slt, %jit3A, %sign3A_15 : i32
    %sign3A_17 = arith.extui %sign3A_16 : i1 to i32
    %sign3A_18 = arith.subi %sign3A_14, %sign3A_17 : i32
    %ne3A = arith.cmpi ne, %sign3A_11, %sign3A_18 : i32
    %rem3A = arith.remsi %sub3A_5, %jit3A : i32
    %ne3A_19 = arith.constant 0 : i32
    %ne3A_20 = arith.cmpi ne, %rem3A, %ne3A_19 : i32
    %and3A = arith.andi %ne3A, %ne3A_20 : i1
    %sub3A_21 = arith.constant 1 : i32
    %sub3A_22 = arith.subi %div3A, %sub3A_21 : i32
    %select_n3A = arith.select %and3A, %sub3A_22, %div3A : i32
    %while3A = arith.constant 0 : i32
    %while3A_23 = arith.constant 0 : i32
    %while3A_24 = arith.subi %select_n3A, %while3A : i32
    %while3A_25 = arith.addi %while3A, %while3A_24 : i32
    %while3A_26 = arith.constant 1 : i32
    %while3A_27 = arith.divsi %while3A_24, %while3A_26 : i32
    %while3A_28 = arith.muli %while3A_27, %while3A_26 : i32
    %while3A_29 = arith.addi %while3A, %while3A_28 : i32
    %while3A_30 = arith.constant 1 : i32
    %while3A_31 = scf.for %while3A_36 = %while3A to %while3A_29 step %while3A_30 iter_args(%while3A_37 = %while3A_23) -> (i32)  : i32 {
      %mul3A_38 = arith.constant 32 : i32
      %mul3A_39 = arith.muli %while3A_36, %mul3A_38 : i32
      %add3A_40 = arith.addi %add3A, %mul3A_39 : i32
      %mul3A_41 = arith.constant 128 : i32
      %mul3A_42 = arith.muli %add3A_40, %mul3A_41 : i32
      %dma_start3A = arith.constant 0 : i32
      %dma_start3A_43 = arith.constant 0 : i32
      %dma_start3A_44 = tpu.memref_slice %arg5[%dma_start3A, %dma_start3A_43] : memref<128x128xf32, #tpu.memory_space<vmem>> -> memref<128x128xf32, #tpu.memory_space<vmem>>
      %dma_start3A_45 = arith.constant 0 : i32
      %dma_start3A_46 = tpu.memref_slice %arg2[%mul3A_42, %dma_start3A_45] : memref<10000x128xf32, #tpu.memory_space<hbm>> -> memref<128x128xf32, #tpu.memory_space<hbm>>
      %dma_start3A_47 = arith.constant 0 : i32
      %dma_start3A_48 = arith.constant 0 : i32
      %dma_start3A_49 = tpu.memref_slice %arg5[%dma_start3A_47, %dma_start3A_48] : memref<128x128xf32, #tpu.memory_space<vmem>> -> memref<128x128xf32, #tpu.memory_space<vmem>>
      %dma_start3A_50 = arith.constant 0 : i32
      %dma_start3A_51 = tpu.memref_slice %arg2[%mul3A_42, %dma_start3A_50] : memref<10000x128xf32, #tpu.memory_space<hbm>> -> memref<128x128xf32, #tpu.memory_space<hbm>>
      tpu.enqueue_dma source(%dma_start3A_51 : memref<128x128xf32, #tpu.memory_space<hbm>>) target(%dma_start3A_49 : memref<128x128xf32, #tpu.memory_space<vmem>>) target_semaphore(%arg7 : memref<!tpu.dma_semaphore, #tpu.memory_space<semaphore_mem>>)
      %dma_start3A_52 = arith.constant 0 : i32
      %dma_start3A_53 = arith.constant 0 : i32
      %dma_start3A_54 = tpu.memref_slice %arg6[%dma_start3A_52, %dma_start3A_53] : memref<128x128xf32, #tpu.memory_space<vmem>> -> memref<128x128xf32, #tpu.memory_space<vmem>>
      %dma_start3A_55 = arith.constant 0 : i32
      %dma_start3A_56 = tpu.memref_slice %arg3[%mul3A_42, %dma_start3A_55] : memref<10000x128xf32, #tpu.memory_space<hbm>> -> memref<128x128xf32, #tpu.memory_space<hbm>>
      %dma_start3A_57 = arith.constant 0 : i32
      %dma_start3A_58 = arith.constant 0 : i32
      %dma_start3A_59 = tpu.memref_slice %arg6[%dma_start3A_57, %dma_start3A_58] : memref<128x128xf32, #tpu.memory_space<vmem>> -> memref<128x128xf32, #tpu.memory_space<vmem>>
      %dma_start3A_60 = arith.constant 0 : i32
      %dma_start3A_61 = tpu.memref_slice %arg3[%mul3A_42, %dma_start3A_60] : memref<10000x128xf32, #tpu.memory_space<hbm>> -> memref<128x128xf32, #tpu.memory_space<hbm>>
      tpu.enqueue_dma source(%dma_start3A_61 : memref<128x128xf32, #tpu.memory_space<hbm>>) target(%dma_start3A_59 : memref<128x128xf32, #tpu.memory_space<vmem>>) target_semaphore(%arg8 : memref<!tpu.dma_semaphore, #tpu.memory_space<semaphore_mem>>)
      %dma_wait3A = arith.constant 0 : i32
      %dma_wait3A_62 = arith.constant 0 : i32
      %dma_wait3A_63 = tpu.memref_slice %arg5[%dma_wait3A, %dma_wait3A_62] : memref<128x128xf32, #tpu.memory_space<vmem>> -> memref<128x128xf32, #tpu.memory_space<vmem>>
      %dma_wait3A_64 = arith.constant 0 : i32
      %dma_wait3A_65 = tpu.memref_slice %arg2[%mul3A_42, %dma_wait3A_64] : memref<10000x128xf32, #tpu.memory_space<hbm>> -> memref<128x128xf32, #tpu.memory_space<hbm>>
      %dma_wait3A_66 = arith.constant 0 : i32
      %dma_wait3A_67 = arith.constant 0 : i32
      %dma_wait3A_68 = tpu.memref_slice %arg5[%dma_wait3A_66, %dma_wait3A_67] : memref<128x128xf32, #tpu.memory_space<vmem>> -> memref<128x128xf32, #tpu.memory_space<vmem>>
      %dma_wait3A_69 = arith.constant 0 : i32
      %dma_wait3A_70 = tpu.memref_slice %arg2[%mul3A_42, %dma_wait3A_69] : memref<10000x128xf32, #tpu.memory_space<hbm>> -> memref<128x128xf32, #tpu.memory_space<hbm>>
      tpu.wait_dma2 semaphore(%arg7 : memref<!tpu.dma_semaphore, #tpu.memory_space<semaphore_mem>>) src(%dma_wait3A_70 : memref<128x128xf32, #tpu.memory_space<hbm>>) dst(%dma_wait3A_68 : memref<128x128xf32, #tpu.memory_space<vmem>>)
      %dma_wait3A_71 = arith.constant 0 : i32
      %dma_wait3A_72 = arith.constant 0 : i32
      %dma_wait3A_73 = tpu.memref_slice %arg6[%dma_wait3A_71, %dma_wait3A_72] : memref<128x128xf32, #tpu.memory_space<vmem>> -> memref<128x128xf32, #tpu.memory_space<vmem>>
      %dma_wait3A_74 = arith.constant 0 : i32
      %dma_wait3A_75 = tpu.memref_slice %arg3[%mul3A_42, %dma_wait3A_74] : memref<10000x128xf32, #tpu.memory_space<hbm>> -> memref<128x128xf32, #tpu.memory_space<hbm>>
      %dma_wait3A_76 = arith.constant 0 : i32
      %dma_wait3A_77 = arith.constant 0 : i32
      %dma_wait3A_78 = tpu.memref_slice %arg6[%dma_wait3A_76, %dma_wait3A_77] : memref<128x128xf32, #tpu.memory_space<vmem>> -> memref<128x128xf32, #tpu.memory_space<vmem>>
      %dma_wait3A_79 = arith.constant 0 : i32
      %dma_wait3A_80 = tpu.memref_slice %arg3[%mul3A_42, %dma_wait3A_79] : memref<10000x128xf32, #tpu.memory_space<hbm>> -> memref<128x128xf32, #tpu.memory_space<hbm>>
      tpu.wait_dma2 semaphore(%arg8 : memref<!tpu.dma_semaphore, #tpu.memory_space<semaphore_mem>>) src(%dma_wait3A_80 : memref<128x128xf32, #tpu.memory_space<hbm>>) dst(%dma_wait3A_78 : memref<128x128xf32, #tpu.memory_space<vmem>>)
      %scan3A = arith.constant 0 : i32
      %scan3A_81 = arith.constant 0 : i32
      %scan3A_82 = arith.constant 128 : i32
      %scan3A_83 = arith.addi %scan3A_81, %scan3A_82 : i32
      %scan3A_84 = arith.constant 1 : i32
      %scan3A_85 = scf.for %scan3A_88 = %scan3A_81 to %scan3A_83 step %scan3A_84 iter_args(%scan3A_89 = %scan3A) -> (i32)  : i32 {
        %get3A = arith.index_cast %scan3A_88 : i32 to index
        %get3A_90 = arith.constant 0 : index
        %get3A_91 = tpu.vector_load %arg6[%get3A, %get3A_90] {strides = array<i32>} : memref<128x128xf32, #tpu.memory_space<vmem>>, vector<1x16xf32>,
        %get3A_92 = vector.shape_cast %get3A_91 : vector<1x16xf32> to vector<16xf32>
        %get3A_93 = arith.index_cast %scan3A_88 : i32 to index
        %get3A_94 = arith.constant 0 : index
        %get3A_95 = tpu.vector_load %arg5[%get3A_93, %get3A_94] {strides = array<i32>} : memref<128x128xf32, #tpu.memory_space<vmem>>, vector<1x16xf32>,
        %get3A_96 = vector.shape_cast %get3A_95 : vector<1x16xf32> to vector<16xf32>
        %sub3A_97 = arith.subf %get3A_92, %get3A_96 : vector<16xf32>
        %swap3A = arith.index_cast %scan3A_88 : i32 to index
        %swap3A_98 = arith.constant 0 : index
        %swap3A_99 = tpu.vector_load %arg6[%swap3A, %swap3A_98] {strides = array<i32>} : memref<128x128xf32, #tpu.memory_space<vmem>>, vector<1x16xf32>,
        %swap3A_100 = vector.shape_cast %swap3A_99 : vector<1x16xf32> to vector<16xf32>
        %swap3A_101 = vector.shape_cast %sub3A_97 : vector<16xf32> to vector<1x16xf32>
        tpu.vector_store %arg6[%swap3A, %swap3A_98], %swap3A_101 {strides = array<i32>} : memref<128x128xf32, #tpu.memory_space<vmem>>, vector<1x16xf32>,
        %get3A_102 = arith.index_cast %scan3A_88 : i32 to index
        %get3A_103 = arith.constant 16 : index
        %get3A_104 = tpu.vector_load %arg6[%get3A_102, %get3A_103] {strides = array<i32>} : memref<128x128xf32, #tpu.memory_space<vmem>>, vector<1x16xf32>,
        %get3A_105 = vector.shape_cast %get3A_104 : vector<1x16xf32> to vector<16xf32>
        %get3A_106 = arith.index_cast %scan3A_88 : i32 to index
        %get3A_107 = arith.constant 16 : index
        %get3A_108 = tpu.vector_load %arg5[%get3A_106, %get3A_107] {strides = array<i32>} : memref<128x128xf32, #tpu.memory_space<vmem>>, vector<1x16xf32>,
        %get3A_109 = vector.shape_cast %get3A_108 : vector<1x16xf32> to vector<16xf32>
        %sub3A_110 = arith.subf %get3A_105, %get3A_109 : vector<16xf32>
        %swap3A_111 = arith.index_cast %scan3A_88 : i32 to index
        %swap3A_112 = arith.constant 16 : index
        %swap3A_113 = tpu.vector_load %arg6[%swap3A_111, %swap3A_112] {strides = array<i32>} : memref<128x128xf32, #tpu.memory_space<vmem>>, vector<1x16xf32>,
        %swap3A_114 = vector.shape_cast %swap3A_113 : vector<1x16xf32> to vector<16xf32>
        %swap3A_115 = vector.shape_cast %sub3A_110 : vector<16xf32> to vector<1x16xf32>
        tpu.vector_store %arg6[%swap3A_111, %swap3A_112], %swap3A_115 {strides = array<i32>} : memref<128x128xf32, #tpu.memory_space<vmem>>, vector<1x16xf32>,
        %get3A_116 = arith.index_cast %scan3A_88 : i32 to index
        %get3A_117 = arith.constant 32 : index
        %get3A_118 = tpu.vector_load %arg6[%get3A_116, %get3A_117] {strides = array<i32>} : memref<128x128xf32, #tpu.memory_space<vmem>>, vector<1x16xf32>,
        %get3A_119 = vector.shape_cast %get3A_118 : vector<1x16xf32> to vector<16xf32>
        %get3A_120 = arith.index_cast %scan3A_88 : i32 to index
        %get3A_121 = arith.constant 32 : index
        %get3A_122 = tpu.vector_load %arg5[%get3A_120, %get3A_121] {strides = array<i32>} : memref<128x128xf32, #tpu.memory_space<vmem>>, vector<1x16xf32>,
        %get3A_123 = vector.shape_cast %get3A_122 : vector<1x16xf32> to vector<16xf32>
        %sub3A_124 = arith.subf %get3A_119, %get3A_123 : vector<16xf32>
        %swap3A_125 = arith.index_cast %scan3A_88 : i32 to index
        %swap3A_126 = arith.constant 32 : index
        %swap3A_127 = tpu.vector_load %arg6[%swap3A_125, %swap3A_126] {strides = array<i32>} : memref<128x128xf32, #tpu.memory_space<vmem>>, vector<1x16xf32>,
        %swap3A_128 = vector.shape_cast %swap3A_127 : vector<1x16xf32> to vector<16xf32>
        %swap3A_129 = vector.shape_cast %sub3A_124 : vector<16xf32> to vector<1x16xf32>
        tpu.vector_store %arg6[%swap3A_125, %swap3A_126], %swap3A_129 {strides = array<i32>} : memref<128x128xf32, #tpu.memory_space<vmem>>, vector<1x16xf32>,
        %get3A_130 = arith.index_cast %scan3A_88 : i32 to index
        %get3A_131 = arith.constant 48 : index
        %get3A_132 = tpu.vector_load %arg6[%get3A_130, %get3A_131] {strides = array<i32>} : memref<128x128xf32, #tpu.memory_space<vmem>>, vector<1x16xf32>,
        %get3A_133 = vector.shape_cast %get3A_132 : vector<1x16xf32> to vector<16xf32>
        %get3A_134 = arith.index_cast %scan3A_88 : i32 to index
        %get3A_135 = arith.constant 48 : index
        %get3A_136 = tpu.vector_load %arg5[%get3A_134, %get3A_135] {strides = array<i32>} : memref<128x128xf32, #tpu.memory_space<vmem>>, vector<1x16xf32>,
        %get3A_137 = vector.shape_cast %get3A_136 : vector<1x16xf32> to vector<16xf32>
        %sub3A_138 = arith.subf %get3A_133, %get3A_137 : vector<16xf32>
        %swap3A_139 = arith.index_cast %scan3A_88 : i32 to index
        %swap3A_140 = arith.constant 48 : index
        %swap3A_141 = tpu.vector_load %arg6[%swap3A_139, %swap3A_140] {strides = array<i32>} : memref<128x128xf32, #tpu.memory_space<vmem>>, vector<1x16xf32>,
        %swap3A_142 = vector.shape_cast %swap3A_141 : vector<1x16xf32> to vector<16xf32>
        %swap3A_143 = vector.shape_cast %sub3A_138 : vector<16xf32> to vector<1x16xf32>
        tpu.vector_store %arg6[%swap3A_139, %swap3A_140], %swap3A_143 {strides = array<i32>} : memref<128x128xf32, #tpu.memory_space<vmem>>, vector<1x16xf32>,
        %get3A_144 = arith.index_cast %scan3A_88 : i32 to index
        %get3A_145 = arith.constant 64 : index
        %get3A_146 = tpu.vector_load %arg6[%get3A_144, %get3A_145] {strides = array<i32>} : memref<128x128xf32, #tpu.memory_space<vmem>>, vector<1x16xf32>,
        %get3A_147 = vector.shape_cast %get3A_146 : vector<1x16xf32> to vector<16xf32>
        %get3A_148 = arith.index_cast %scan3A_88 : i32 to index
        %get3A_149 = arith.constant 64 : index
        %get3A_150 = tpu.vector_load %arg5[%get3A_148, %get3A_149] {strides = array<i32>} : memref<128x128xf32, #tpu.memory_space<vmem>>, vector<1x16xf32>,
        %get3A_151 = vector.shape_cast %get3A_150 : vector<1x16xf32> to vector<16xf32>
        %sub3A_152 = arith.subf %get3A_147, %get3A_151 : vector<16xf32>
        %swap3A_153 = arith.index_cast %scan3A_88 : i32 to index
        %swap3A_154 = arith.constant 64 : index
        %swap3A_155 = tpu.vector_load %arg6[%swap3A_153, %swap3A_154] {strides = array<i32>} : memref<128x128xf32, #tpu.memory_space<vmem>>, vector<1x16xf32>,
        %swap3A_156 = vector.shape_cast %swap3A_155 : vector<1x16xf32> to vector<16xf32>
        %swap3A_157 = vector.shape_cast %sub3A_152 : vector<16xf32> to vector<1x16xf32>
        tpu.vector_store %arg6[%swap3A_153, %swap3A_154], %swap3A_157 {strides = array<i32>} : memref<128x128xf32, #tpu.memory_space<vmem>>, vector<1x16xf32>,
        %get3A_158 = arith.index_cast %scan3A_88 : i32 to index
        %get3A_159 = arith.constant 80 : index
        %get3A_160 = tpu.vector_load %arg6[%get3A_158, %get3A_159] {strides = array<i32>} : memref<128x128xf32, #tpu.memory_space<vmem>>, vector<1x16xf32>,
        %get3A_161 = vector.shape_cast %get3A_160 : vector<1x16xf32> to vector<16xf32>
        %get3A_162 = arith.index_cast %scan3A_88 : i32 to index
        %get3A_163 = arith.constant 80 : index
        %get3A_164 = tpu.vector_load %arg5[%get3A_162, %get3A_163] {strides = array<i32>} : memref<128x128xf32, #tpu.memory_space<vmem>>, vector<1x16xf32>,
        %get3A_165 = vector.shape_cast %get3A_164 : vector<1x16xf32> to vector<16xf32>
        %sub3A_166 = arith.subf %get3A_161, %get3A_165 : vector<16xf32>
        %swap3A_167 = arith.index_cast %scan3A_88 : i32 to index
        %swap3A_168 = arith.constant 80 : index
        %swap3A_169 = tpu.vector_load %arg6[%swap3A_167, %swap3A_168] {strides = array<i32>} : memref<128x128xf32, #tpu.memory_space<vmem>>, vector<1x16xf32>,
        %swap3A_170 = vector.shape_cast %swap3A_169 : vector<1x16xf32> to vector<16xf32>
        %swap3A_171 = vector.shape_cast %sub3A_166 : vector<16xf32> to vector<1x16xf32>
        tpu.vector_store %arg6[%swap3A_167, %swap3A_168], %swap3A_171 {strides = array<i32>} : memref<128x128xf32, #tpu.memory_space<vmem>>, vector<1x16xf32>,
        %get3A_172 = arith.index_cast %scan3A_88 : i32 to index
        %get3A_173 = arith.constant 96 : index
        %get3A_174 = tpu.vector_load %arg6[%get3A_172, %get3A_173] {strides = array<i32>} : memref<128x128xf32, #tpu.memory_space<vmem>>, vector<1x16xf32>,
        %get3A_175 = vector.shape_cast %get3A_174 : vector<1x16xf32> to vector<16xf32>
        %get3A_176 = arith.index_cast %scan3A_88 : i32 to index
        %get3A_177 = arith.constant 96 : index
        %get3A_178 = tpu.vector_load %arg5[%get3A_176, %get3A_177] {strides = array<i32>} : memref<128x128xf32, #tpu.memory_space<vmem>>, vector<1x16xf32>,
        %get3A_179 = vector.shape_cast %get3A_178 : vector<1x16xf32> to vector<16xf32>
        %sub3A_180 = arith.subf %get3A_175, %get3A_179 : vector<16xf32>
        %swap3A_181 = arith.index_cast %scan3A_88 : i32 to index
        %swap3A_182 = arith.constant 96 : index
        %swap3A_183 = tpu.vector_load %arg6[%swap3A_181, %swap3A_182] {strides = array<i32>} : memref<128x128xf32, #tpu.memory_space<vmem>>, vector<1x16xf32>,
        %swap3A_184 = vector.shape_cast %swap3A_183 : vector<1x16xf32> to vector<16xf32>
        %swap3A_185 = vector.shape_cast %sub3A_180 : vector<16xf32> to vector<1x16xf32>
        tpu.vector_store %arg6[%swap3A_181, %swap3A_182], %swap3A_185 {strides = array<i32>} : memref<128x128xf32, #tpu.memory_space<vmem>>, vector<1x16xf32>,
        %get3A_186 = arith.index_cast %scan3A_88 : i32 to index
        %get3A_187 = arith.constant 112 : index
        %get3A_188 = tpu.vector_load %arg6[%get3A_186, %get3A_187] {strides = array<i32>} : memref<128x128xf32, #tpu.memory_space<vmem>>, vector<1x16xf32>,
        %get3A_189 = vector.shape_cast %get3A_188 : vector<1x16xf32> to vector<16xf32>
        %get3A_190 = arith.index_cast %scan3A_88 : i32 to index
        %get3A_191 = arith.constant 112 : index
        %get3A_192 = tpu.vector_load %arg5[%get3A_190, %get3A_191] {strides = array<i32>} : memref<128x128xf32, #tpu.memory_space<vmem>>, vector<1x16xf32>,
        %get3A_193 = vector.shape_cast %get3A_192 : vector<1x16xf32> to vector<16xf32>
        %sub3A_194 = arith.subf %get3A_189, %get3A_193 : vector<16xf32>
        %swap3A_195 = arith.index_cast %scan3A_88 : i32 to index
        %swap3A_196 = arith.constant 112 : index
        %swap3A_197 = tpu.vector_load %arg6[%swap3A_195, %swap3A_196] {strides = array<i32>} : memref<128x128xf32, #tpu.memory_space<vmem>>, vector<1x16xf32>,
        %swap3A_198 = vector.shape_cast %swap3A_197 : vector<1x16xf32> to vector<16xf32>
        %swap3A_199 = vector.shape_cast %sub3A_194 : vector<16xf32> to vector<1x16xf32>
        tpu.vector_store %arg6[%swap3A_195, %swap3A_196], %swap3A_199 {strides = array<i32>} : memref<128x128xf32, #tpu.memory_space<vmem>>, vector<1x16xf32>,
        %scan3A_200 = arith.constant 0 : i32
        scf.yield %scan3A_200 : i32
      }
      %scan3A_86 = arith.constant 128 : i32
      "tpu.region"() ({
        %run_scoped3A = tpu.sem_alloc : memref<!tpu.dma_semaphore, #tpu.memory_space<semaphore_mem>>
        %dma_start3A_88 = arith.constant 0 : i32
        %dma_start3A_89 = arith.constant 0 : i32
        %dma_start3A_90 = tpu.memref_slice %arg6[%dma_start3A_88, %dma_start3A_89] : memref<128x128xf32, #tpu.memory_space<vmem>> -> memref<128x128xf32, #tpu.memory_space<vmem>>
        %dma_start3A_91 = arith.constant 0 : i32
        %dma_start3A_92 = tpu.memref_slice %arg4[%mul3A_42, %dma_start3A_91] : memref<10000x128xf32, #tpu.memory_space<hbm>> -> memref<128x128xf32, #tpu.memory_space<hbm>>
        %dma_start3A_93 = arith.constant 0 : i32
        %dma_start3A_94 = tpu.memref_slice %arg4[%mul3A_42, %dma_start3A_93] : memref<10000x128xf32, #tpu.memory_space<hbm>> -> memref<128x128xf32, #tpu.memory_space<hbm>>
        %dma_start3A_95 = arith.constant 0 : i32
        %dma_start3A_96 = arith.constant 0 : i32
        %dma_start3A_97 = tpu.memref_slice %arg6[%dma_start3A_95, %dma_start3A_96] : memref<128x128xf32, #tpu.memory_space<vmem>> -> memref<128x128xf32, #tpu.memory_space<vmem>>
        tpu.enqueue_dma source(%dma_start3A_97 : memref<128x128xf32, #tpu.memory_space<vmem>>) target(%dma_start3A_94 : memref<128x128xf32, #tpu.memory_space<hbm>>) target_semaphore(%run_scoped3A : memref<!tpu.dma_semaphore, #tpu.memory_space<semaphore_mem>>)
        %dma_wait3A_98 = arith.constant 0 : i32
        %dma_wait3A_99 = arith.constant 0 : i32
        %dma_wait3A_100 = tpu.memref_slice %arg6[%dma_wait3A_98, %dma_wait3A_99] : memref<128x128xf32, #tpu.memory_space<vmem>> -> memref<128x128xf32, #tpu.memory_space<vmem>>
        %dma_wait3A_101 = arith.constant 0 : i32
        %dma_wait3A_102 = tpu.memref_slice %arg4[%mul3A_42, %dma_wait3A_101] : memref<10000x128xf32, #tpu.memory_space<hbm>> -> memref<128x128xf32, #tpu.memory_space<hbm>>
        %dma_wait3A_103 = arith.constant 0 : i32
        %dma_wait3A_104 = tpu.memref_slice %arg4[%mul3A_42, %dma_wait3A_103] : memref<10000x128xf32, #tpu.memory_space<hbm>> -> memref<128x128xf32, #tpu.memory_space<hbm>>
        %dma_wait3A_105 = arith.constant 0 : i32
        %dma_wait3A_106 = arith.constant 0 : i32
        %dma_wait3A_107 = tpu.memref_slice %arg6[%dma_wait3A_105, %dma_wait3A_106] : memref<128x128xf32, #tpu.memory_space<vmem>> -> memref<128x128xf32, #tpu.memory_space<vmem>>
        tpu.wait_dma2 semaphore(%run_scoped3A : memref<!tpu.dma_semaphore, #tpu.memory_space<semaphore_mem>>) src(%dma_wait3A_107 : memref<128x128xf32, #tpu.memory_space<vmem>>) dst(%dma_wait3A_104 : memref<128x128xf32, #tpu.memory_space<hbm>>)
        tpu.yield
      }) : () -> ()
      %while3A_87 = arith.constant 0 : i32
      scf.yield %while3A_87 : i32
    }
    %while3A_32 = arith.constant 1 : i32
    %while3A_33 = scf.for %while3A_36 = %while3A_29 to %while3A_25 step %while3A_32 iter_args(%while3A_37 = %while3A_31) -> (i32)  : i32 {
      %mul3A_38 = arith.constant 32 : i32
      %mul3A_39 = arith.muli %while3A_36, %mul3A_38 : i32
      %add3A_40 = arith.addi %add3A, %mul3A_39 : i32
      %mul3A_41 = arith.constant 128 : i32
      %mul3A_42 = arith.muli %add3A_40, %mul3A_41 : i32
      %dma_start3A = arith.constant 0 : i32
      %dma_start3A_43 = arith.constant 0 : i32
      %dma_start3A_44 = tpu.memref_slice %arg5[%dma_start3A, %dma_start3A_43] : memref<128x128xf32, #tpu.memory_space<vmem>> -> memref<128x128xf32, #tpu.memory_space<vmem>>
      %dma_start3A_45 = arith.constant 0 : i32
      %dma_start3A_46 = tpu.memref_slice %arg2[%mul3A_42, %dma_start3A_45] : memref<10000x128xf32, #tpu.memory_space<hbm>> -> memref<128x128xf32, #tpu.memory_space<hbm>>
      %dma_start3A_47 = arith.constant 0 : i32
      %dma_start3A_48 = arith.constant 0 : i32
      %dma_start3A_49 = tpu.memref_slice %arg5[%dma_start3A_47, %dma_start3A_48] : memref<128x128xf32, #tpu.memory_space<vmem>> -> memref<128x128xf32, #tpu.memory_space<vmem>>
      %dma_start3A_50 = arith.constant 0 : i32
      %dma_start3A_51 = tpu.memref_slice %arg2[%mul3A_42, %dma_start3A_50] : memref<10000x128xf32, #tpu.memory_space<hbm>> -> memref<128x128xf32, #tpu.memory_space<hbm>>
      tpu.enqueue_dma source(%dma_start3A_51 : memref<128x128xf32, #tpu.memory_space<hbm>>) target(%dma_start3A_49 : memref<128x128xf32, #tpu.memory_space<vmem>>) target_semaphore(%arg7 : memref<!tpu.dma_semaphore, #tpu.memory_space<semaphore_mem>>)
      %dma_start3A_52 = arith.constant 0 : i32
      %dma_start3A_53 = arith.constant 0 : i32
      %dma_start3A_54 = tpu.memref_slice %arg6[%dma_start3A_52, %dma_start3A_53] : memref<128x128xf32, #tpu.memory_space<vmem>> -> memref<128x128xf32, #tpu.memory_space<vmem>>
      %dma_start3A_55 = arith.constant 0 : i32
      %dma_start3A_56 = tpu.memref_slice %arg3[%mul3A_42, %dma_start3A_55] : memref<10000x128xf32, #tpu.memory_space<hbm>> -> memref<128x128xf32, #tpu.memory_space<hbm>>
      %dma_start3A_57 = arith.constant 0 : i32
      %dma_start3A_58 = arith.constant 0 : i32
      %dma_start3A_59 = tpu.memref_slice %arg6[%dma_start3A_57, %dma_start3A_58] : memref<128x128xf32, #tpu.memory_space<vmem>> -> memref<128x128xf32, #tpu.memory_space<vmem>>
      %dma_start3A_60 = arith.constant 0 : i32
      %dma_start3A_61 = tpu.memref_slice %arg3[%mul3A_42, %dma_start3A_60] : memref<10000x128xf32, #tpu.memory_space<hbm>> -> memref<128x128xf32, #tpu.memory_space<hbm>>
      tpu.enqueue_dma source(%dma_start3A_61 : memref<128x128xf32, #tpu.memory_space<hbm>>) target(%dma_start3A_59 : memref<128x128xf32, #tpu.memory_space<vmem>>) target_semaphore(%arg8 : memref<!tpu.dma_semaphore, #tpu.memory_space<semaphore_mem>>)
      %dma_wait3A = arith.constant 0 : i32
      %dma_wait3A_62 = arith.constant 0 : i32
      %dma_wait3A_63 = tpu.memref_slice %arg5[%dma_wait3A, %dma_wait3A_62] : memref<128x128xf32, #tpu.memory_space<vmem>> -> memref<128x128xf32, #tpu.memory_space<vmem>>
      %dma_wait3A_64 = arith.constant 0 : i32
      %dma_wait3A_65 = tpu.memref_slice %arg2[%mul3A_42, %dma_wait3A_64] : memref<10000x128xf32, #tpu.memory_space<hbm>> -> memref<128x128xf32, #tpu.memory_space<hbm>>
      %dma_wait3A_66 = arith.constant 0 : i32
      %dma_wait3A_67 = arith.constant 0 : i32
      %dma_wait3A_68 = tpu.memref_slice %arg5[%dma_wait3A_66, %dma_wait3A_67] : memref<128x128xf32, #tpu.memory_space<vmem>> -> memref<128x128xf32, #tpu.memory_space<vmem>>
      %dma_wait3A_69 = arith.constant 0 : i32
      %dma_wait3A_70 = tpu.memref_slice %arg2[%mul3A_42, %dma_wait3A_69] : memref<10000x128xf32, #tpu.memory_space<hbm>> -> memref<128x128xf32, #tpu.memory_space<hbm>>
      tpu.wait_dma2 semaphore(%arg7 : memref<!tpu.dma_semaphore, #tpu.memory_space<semaphore_mem>>) src(%dma_wait3A_70 : memref<128x128xf32, #tpu.memory_space<hbm>>) dst(%dma_wait3A_68 : memref<128x128xf32, #tpu.memory_space<vmem>>)
      %dma_wait3A_71 = arith.constant 0 : i32
      %dma_wait3A_72 = arith.constant 0 : i32
      %dma_wait3A_73 = tpu.memref_slice %arg6[%dma_wait3A_71, %dma_wait3A_72] : memref<128x128xf32, #tpu.memory_space<vmem>> -> memref<128x128xf32, #tpu.memory_space<vmem>>
      %dma_wait3A_74 = arith.constant 0 : i32
      %dma_wait3A_75 = tpu.memref_slice %arg3[%mul3A_42, %dma_wait3A_74] : memref<10000x128xf32, #tpu.memory_space<hbm>> -> memref<128x128xf32, #tpu.memory_space<hbm>>
      %dma_wait3A_76 = arith.constant 0 : i32
      %dma_wait3A_77 = arith.constant 0 : i32
      %dma_wait3A_78 = tpu.memref_slice %arg6[%dma_wait3A_76, %dma_wait3A_77] : memref<128x128xf32, #tpu.memory_space<vmem>> -> memref<128x128xf32, #tpu.memory_space<vmem>>
      %dma_wait3A_79 = arith.constant 0 : i32
      %dma_wait3A_80 = tpu.memref_slice %arg3[%mul3A_42, %dma_wait3A_79] : memref<10000x128xf32, #tpu.memory_space<hbm>> -> memref<128x128xf32, #tpu.memory_space<hbm>>
      tpu.wait_dma2 semaphore(%arg8 : memref<!tpu.dma_semaphore, #tpu.memory_space<semaphore_mem>>) src(%dma_wait3A_80 : memref<128x128xf32, #tpu.memory_space<hbm>>) dst(%dma_wait3A_78 : memref<128x128xf32, #tpu.memory_space<vmem>>)
      %scan3A = arith.constant 0 : i32
      %scan3A_81 = arith.constant 0 : i32
      %scan3A_82 = arith.constant 128 : i32
      %scan3A_83 = arith.addi %scan3A_81, %scan3A_82 : i32
      %scan3A_84 = arith.constant 1 : i32
      %scan3A_85 = scf.for %scan3A_88 = %scan3A_81 to %scan3A_83 step %scan3A_84 iter_args(%scan3A_89 = %scan3A) -> (i32)  : i32 {
        %get3A = arith.index_cast %scan3A_88 : i32 to index
        %get3A_90 = arith.constant 0 : index
        %get3A_91 = tpu.vector_load %arg6[%get3A, %get3A_90] {strides = array<i32>} : memref<128x128xf32, #tpu.memory_space<vmem>>, vector<1x16xf32>,
        %get3A_92 = vector.shape_cast %get3A_91 : vector<1x16xf32> to vector<16xf32>
        %get3A_93 = arith.index_cast %scan3A_88 : i32 to index
        %get3A_94 = arith.constant 0 : index
        %get3A_95 = tpu.vector_load %arg5[%get3A_93, %get3A_94] {strides = array<i32>} : memref<128x128xf32, #tpu.memory_space<vmem>>, vector<1x16xf32>,
        %get3A_96 = vector.shape_cast %get3A_95 : vector<1x16xf32> to vector<16xf32>
        %sub3A_97 = arith.subf %get3A_92, %get3A_96 : vector<16xf32>
        %swap3A = arith.index_cast %scan3A_88 : i32 to index
        %swap3A_98 = arith.constant 0 : index
        %swap3A_99 = tpu.vector_load %arg6[%swap3A, %swap3A_98] {strides = array<i32>} : memref<128x128xf32, #tpu.memory_space<vmem>>, vector<1x16xf32>,
        %swap3A_100 = vector.shape_cast %swap3A_99 : vector<1x16xf32> to vector<16xf32>
        %swap3A_101 = vector.shape_cast %sub3A_97 : vector<16xf32> to vector<1x16xf32>
        tpu.vector_store %arg6[%swap3A, %swap3A_98], %swap3A_101 {strides = array<i32>} : memref<128x128xf32, #tpu.memory_space<vmem>>, vector<1x16xf32>,
        %get3A_102 = arith.index_cast %scan3A_88 : i32 to index
        %get3A_103 = arith.constant 16 : index
        %get3A_104 = tpu.vector_load %arg6[%get3A_102, %get3A_103] {strides = array<i32>} : memref<128x128xf32, #tpu.memory_space<vmem>>, vector<1x16xf32>,
        %get3A_105 = vector.shape_cast %get3A_104 : vector<1x16xf32> to vector<16xf32>
        %get3A_106 = arith.index_cast %scan3A_88 : i32 to index
        %get3A_107 = arith.constant 16 : index
        %get3A_108 = tpu.vector_load %arg5[%get3A_106, %get3A_107] {strides = array<i32>} : memref<128x128xf32, #tpu.memory_space<vmem>>, vector<1x16xf32>,
        %get3A_109 = vector.shape_cast %get3A_108 : vector<1x16xf32> to vector<16xf32>
        %sub3A_110 = arith.subf %get3A_105, %get3A_109 : vector<16xf32>
        %swap3A_111 = arith.index_cast %scan3A_88 : i32 to index
        %swap3A_112 = arith.constant 16 : index
        %swap3A_113 = tpu.vector_load %arg6[%swap3A_111, %swap3A_112] {strides = array<i32>} : memref<128x128xf32, #tpu.memory_space<vmem>>, vector<1x16xf32>,
        %swap3A_114 = vector.shape_cast %swap3A_113 : vector<1x16xf32> to vector<16xf32>
        %swap3A_115 = vector.shape_cast %sub3A_110 : vector<16xf32> to vector<1x16xf32>
        tpu.vector_store %arg6[%swap3A_111, %swap3A_112], %swap3A_115 {strides = array<i32>} : memref<128x128xf32, #tpu.memory_space<vmem>>, vector<1x16xf32>,
        %get3A_116 = arith.index_cast %scan3A_88 : i32 to index
        %get3A_117 = arith.constant 32 : index
        %get3A_118 = tpu.vector_load %arg6[%get3A_116, %get3A_117] {strides = array<i32>} : memref<128x128xf32, #tpu.memory_space<vmem>>, vector<1x16xf32>,
        %get3A_119 = vector.shape_cast %get3A_118 : vector<1x16xf32> to vector<16xf32>
        %get3A_120 = arith.index_cast %scan3A_88 : i32 to index
        %get3A_121 = arith.constant 32 : index
        %get3A_122 = tpu.vector_load %arg5[%get3A_120, %get3A_121] {strides = array<i32>} : memref<128x128xf32, #tpu.memory_space<vmem>>, vector<1x16xf32>,
        %get3A_123 = vector.shape_cast %get3A_122 : vector<1x16xf32> to vector<16xf32>
        %sub3A_124 = arith.subf %get3A_119, %get3A_123 : vector<16xf32>
        %swap3A_125 = arith.index_cast %scan3A_88 : i32 to index
        %swap3A_126 = arith.constant 32 : index
        %swap3A_127 = tpu.vector_load %arg6[%swap3A_125, %swap3A_126] {strides = array<i32>} : memref<128x128xf32, #tpu.memory_space<vmem>>, vector<1x16xf32>,
        %swap3A_128 = vector.shape_cast %swap3A_127 : vector<1x16xf32> to vector<16xf32>
        %swap3A_129 = vector.shape_cast %sub3A_124 : vector<16xf32> to vector<1x16xf32>
        tpu.vector_store %arg6[%swap3A_125, %swap3A_126], %swap3A_129 {strides = array<i32>} : memref<128x128xf32, #tpu.memory_space<vmem>>, vector<1x16xf32>,
        %get3A_130 = arith.index_cast %scan3A_88 : i32 to index
        %get3A_131 = arith.constant 48 : index
        %get3A_132 = tpu.vector_load %arg6[%get3A_130, %get3A_131] {strides = array<i32>} : memref<128x128xf32, #tpu.memory_space<vmem>>, vector<1x16xf32>,
        %get3A_133 = vector.shape_cast %get3A_132 : vector<1x16xf32> to vector<16xf32>
        %get3A_134 = arith.index_cast %scan3A_88 : i32 to index
        %get3A_135 = arith.constant 48 : index
        %get3A_136 = tpu.vector_load %arg5[%get3A_134, %get3A_135] {strides = array<i32>} : memref<128x128xf32, #tpu.memory_space<vmem>>, vector<1x16xf32>,
        %get3A_137 = vector.shape_cast %get3A_136 : vector<1x16xf32> to vector<16xf32>
        %sub3A_138 = arith.subf %get3A_133, %get3A_137 : vector<16xf32>
        %swap3A_139 = arith.index_cast %scan3A_88 : i32 to index
        %swap3A_140 = arith.constant 48 : index
        %swap3A_141 = tpu.vector_load %arg6[%swap3A_139, %swap3A_140] {strides = array<i32>} : memref<128x128xf32, #tpu.memory_space<vmem>>, vector<1x16xf32>,
        %swap3A_142 = vector.shape_cast %swap3A_141 : vector<1x16xf32> to vector<16xf32>
        %swap3A_143 = vector.shape_cast %sub3A_138 : vector<16xf32> to vector<1x16xf32>
        tpu.vector_store %arg6[%swap3A_139, %swap3A_140], %swap3A_143 {strides = array<i32>} : memref<128x128xf32, #tpu.memory_space<vmem>>, vector<1x16xf32>,
        %get3A_144 = arith.index_cast %scan3A_88 : i32 to index
        %get3A_145 = arith.constant 64 : index
        %get3A_146 = tpu.vector_load %arg6[%get3A_144, %get3A_145] {strides = array<i32>} : memref<128x128xf32, #tpu.memory_space<vmem>>, vector<1x16xf32>,
        %get3A_147 = vector.shape_cast %get3A_146 : vector<1x16xf32> to vector<16xf32>
        %get3A_148 = arith.index_cast %scan3A_88 : i32 to index
        %get3A_149 = arith.constant 64 : index
        %get3A_150 = tpu.vector_load %arg5[%get3A_148, %get3A_149] {strides = array<i32>} : memref<128x128xf32, #tpu.memory_space<vmem>>, vector<1x16xf32>,
        %get3A_151 = vector.shape_cast %get3A_150 : vector<1x16xf32> to vector<16xf32>
        %sub3A_152 = arith.subf %get3A_147, %get3A_151 : vector<16xf32>
        %swap3A_153 = arith.index_cast %scan3A_88 : i32 to index
        %swap3A_154 = arith.constant 64 : index
        %swap3A_155 = tpu.vector_load %arg6[%swap3A_153, %swap3A_154] {strides = array<i32>} : memref<128x128xf32, #tpu.memory_space<vmem>>, vector<1x16xf32>,
        %swap3A_156 = vector.shape_cast %swap3A_155 : vector<1x16xf32> to vector<16xf32>
        %swap3A_157 = vector.shape_cast %sub3A_152 : vector<16xf32> to vector<1x16xf32>
        tpu.vector_store %arg6[%swap3A_153, %swap3A_154], %swap3A_157 {strides = array<i32>} : memref<128x128xf32, #tpu.memory_space<vmem>>, vector<1x16xf32>,
        %get3A_158 = arith.index_cast %scan3A_88 : i32 to index
        %get3A_159 = arith.constant 80 : index
        %get3A_160 = tpu.vector_load %arg6[%get3A_158, %get3A_159] {strides = array<i32>} : memref<128x128xf32, #tpu.memory_space<vmem>>, vector<1x16xf32>,
        %get3A_161 = vector.shape_cast %get3A_160 : vector<1x16xf32> to vector<16xf32>
        %get3A_162 = arith.index_cast %scan3A_88 : i32 to index
        %get3A_163 = arith.constant 80 : index
        %get3A_164 = tpu.vector_load %arg5[%get3A_162, %get3A_163] {strides = array<i32>} : memref<128x128xf32, #tpu.memory_space<vmem>>, vector<1x16xf32>,
        %get3A_165 = vector.shape_cast %get3A_164 : vector<1x16xf32> to vector<16xf32>
        %sub3A_166 = arith.subf %get3A_161, %get3A_165 : vector<16xf32>
        %swap3A_167 = arith.index_cast %scan3A_88 : i32 to index
        %swap3A_168 = arith.constant 80 : index
        %swap3A_169 = tpu.vector_load %arg6[%swap3A_167, %swap3A_168] {strides = array<i32>} : memref<128x128xf32, #tpu.memory_space<vmem>>, vector<1x16xf32>,
        %swap3A_170 = vector.shape_cast %swap3A_169 : vector<1x16xf32> to vector<16xf32>
        %swap3A_171 = vector.shape_cast %sub3A_166 : vector<16xf32> to vector<1x16xf32>
        tpu.vector_store %arg6[%swap3A_167, %swap3A_168], %swap3A_171 {strides = array<i32>} : memref<128x128xf32, #tpu.memory_space<vmem>>, vector<1x16xf32>,
        %get3A_172 = arith.index_cast %scan3A_88 : i32 to index
        %get3A_173 = arith.constant 96 : index
        %get3A_174 = tpu.vector_load %arg6[%get3A_172, %get3A_173] {strides = array<i32>} : memref<128x128xf32, #tpu.memory_space<vmem>>, vector<1x16xf32>,
        %get3A_175 = vector.shape_cast %get3A_174 : vector<1x16xf32> to vector<16xf32>
        %get3A_176 = arith.index_cast %scan3A_88 : i32 to index
        %get3A_177 = arith.constant 96 : index
        %get3A_178 = tpu.vector_load %arg5[%get3A_176, %get3A_177] {strides = array<i32>} : memref<128x128xf32, #tpu.memory_space<vmem>>, vector<1x16xf32>,
        %get3A_179 = vector.shape_cast %get3A_178 : vector<1x16xf32> to vector<16xf32>
        %sub3A_180 = arith.subf %get3A_175, %get3A_179 : vector<16xf32>
        %swap3A_181 = arith.index_cast %scan3A_88 : i32 to index
        %swap3A_182 = arith.constant 96 : index
        %swap3A_183 = tpu.vector_load %arg6[%swap3A_181, %swap3A_182] {strides = array<i32>} : memref<128x128xf32, #tpu.memory_space<vmem>>, vector<1x16xf32>,
        %swap3A_184 = vector.shape_cast %swap3A_183 : vector<1x16xf32> to vector<16xf32>
        %swap3A_185 = vector.shape_cast %sub3A_180 : vector<16xf32> to vector<1x16xf32>
        tpu.vector_store %arg6[%swap3A_181, %swap3A_182], %swap3A_185 {strides = array<i32>} : memref<128x128xf32, #tpu.memory_space<vmem>>, vector<1x16xf32>,
        %get3A_186 = arith.index_cast %scan3A_88 : i32 to index
        %get3A_187 = arith.constant 112 : index
        %get3A_188 = tpu.vector_load %arg6[%get3A_186, %get3A_187] {strides = array<i32>} : memref<128x128xf32, #tpu.memory_space<vmem>>, vector<1x16xf32>,
        %get3A_189 = vector.shape_cast %get3A_188 : vector<1x16xf32> to vector<16xf32>
        %get3A_190 = arith.index_cast %scan3A_88 : i32 to index
        %get3A_191 = arith.constant 112 : index
        %get3A_192 = tpu.vector_load %arg5[%get3A_190, %get3A_191] {strides = array<i32>} : memref<128x128xf32, #tpu.memory_space<vmem>>, vector<1x16xf32>,
        %get3A_193 = vector.shape_cast %get3A_192 : vector<1x16xf32> to vector<16xf32>
        %sub3A_194 = arith.subf %get3A_189, %get3A_193 : vector<16xf32>
        %swap3A_195 = arith.index_cast %scan3A_88 : i32 to index
        %swap3A_196 = arith.constant 112 : index
        %swap3A_197 = tpu.vector_load %arg6[%swap3A_195, %swap3A_196] {strides = array<i32>} : memref<128x128xf32, #tpu.memory_space<vmem>>, vector<1x16xf32>,
        %swap3A_198 = vector.shape_cast %swap3A_197 : vector<1x16xf32> to vector<16xf32>
        %swap3A_199 = vector.shape_cast %sub3A_194 : vector<16xf32> to vector<1x16xf32>
        tpu.vector_store %arg6[%swap3A_195, %swap3A_196], %swap3A_199 {strides = array<i32>} : memref<128x128xf32, #tpu.memory_space<vmem>>, vector<1x16xf32>,
        %scan3A_200 = arith.constant 0 : i32
        scf.yield %scan3A_200 : i32
      }
      %scan3A_86 = arith.constant 128 : i32
      "tpu.region"() ({
        %run_scoped3A = tpu.sem_alloc : memref<!tpu.dma_semaphore, #tpu.memory_space<semaphore_mem>>
        %dma_start3A_88 = arith.constant 0 : i32
        %dma_start3A_89 = arith.constant 0 : i32
        %dma_start3A_90 = tpu.memref_slice %arg6[%dma_start3A_88, %dma_start3A_89] : memref<128x128xf32, #tpu.memory_space<vmem>> -> memref<128x128xf32, #tpu.memory_space<vmem>>
        %dma_start3A_91 = arith.constant 0 : i32
        %dma_start3A_92 = tpu.memref_slice %arg4[%mul3A_42, %dma_start3A_91] : memref<10000x128xf32, #tpu.memory_space<hbm>> -> memref<128x128xf32, #tpu.memory_space<hbm>>
        %dma_start3A_93 = arith.constant 0 : i32
        %dma_start3A_94 = tpu.memref_slice %arg4[%mul3A_42, %dma_start3A_93] : memref<10000x128xf32, #tpu.memory_space<hbm>> -> memref<128x128xf32, #tpu.memory_space<hbm>>
        %dma_start3A_95 = arith.constant 0 : i32
        %dma_start3A_96 = arith.constant 0 : i32
        %dma_start3A_97 = tpu.memref_slice %arg6[%dma_start3A_95, %dma_start3A_96] : memref<128x128xf32, #tpu.memory_space<vmem>> -> memref<128x128xf32, #tpu.memory_space<vmem>>
        tpu.enqueue_dma source(%dma_start3A_97 : memref<128x128xf32, #tpu.memory_space<vmem>>) target(%dma_start3A_94 : memref<128x128xf32, #tpu.memory_space<hbm>>) target_semaphore(%run_scoped3A : memref<!tpu.dma_semaphore, #tpu.memory_space<semaphore_mem>>)
        %dma_wait3A_98 = arith.constant 0 : i32
        %dma_wait3A_99 = arith.constant 0 : i32
        %dma_wait3A_100 = tpu.memref_slice %arg6[%dma_wait3A_98, %dma_wait3A_99] : memref<128x128xf32, #tpu.memory_space<vmem>> -> memref<128x128xf32, #tpu.memory_space<vmem>>
        %dma_wait3A_101 = arith.constant 0 : i32
        %dma_wait3A_102 = tpu.memref_slice %arg4[%mul3A_42, %dma_wait3A_101] : memref<10000x128xf32, #tpu.memory_space<hbm>> -> memref<128x128xf32, #tpu.memory_space<hbm>>
        %dma_wait3A_103 = arith.constant 0 : i32
        %dma_wait3A_104 = tpu.memref_slice %arg4[%mul3A_42, %dma_wait3A_103] : memref<10000x128xf32, #tpu.memory_space<hbm>> -> memref<128x128xf32, #tpu.memory_space<hbm>>
        %dma_wait3A_105 = arith.constant 0 : i32
        %dma_wait3A_106 = arith.constant 0 : i32
        %dma_wait3A_107 = tpu.memref_slice %arg6[%dma_wait3A_105, %dma_wait3A_106] : memref<128x128xf32, #tpu.memory_space<vmem>> -> memref<128x128xf32, #tpu.memory_space<vmem>>
        tpu.wait_dma2 semaphore(%run_scoped3A : memref<!tpu.dma_semaphore, #tpu.memory_space<semaphore_mem>>) src(%dma_wait3A_107 : memref<128x128xf32, #tpu.memory_space<vmem>>) dst(%dma_wait3A_104 : memref<128x128xf32, #tpu.memory_space<hbm>>)
        tpu.yield
      }) : () -> ()
      %while3A_87 = arith.constant 0 : i32
      scf.yield %while3A_87 : i32
    }
    %eq3A = arith.constant 31 : i32
    %eq3A_34 = arith.cmpi eq, %add3A, %eq3A : i32
    %convert_element_type3A = arith.extui %eq3A_34 : i1 to i32
    %cond3A = arith.constant 0 : i32
    %cond3A_35 = arith.cmpi ne, %convert_element_type3A, %cond3A : i32
    scf.if %cond3A_35 {
      %dma_start3A = arith.constant 0 : i32
      %dma_start3A_36 = arith.constant 0 : i32
      %dma_start3A_37 = tpu.memref_slice %arg5[%dma_start3A, %dma_start3A_36] : memref<128x128xf32, #tpu.memory_space<vmem>> -> memref<16x128xf32, #tpu.memory_space<vmem>>
      %dma_start3A_38 = arith.constant 9984 : i32
      %dma_start3A_39 = arith.constant 0 : i32
      %dma_start3A_40 = tpu.memref_slice %arg2[%dma_start3A_38, %dma_start3A_39] : memref<10000x128xf32, #tpu.memory_space<hbm>> -> memref<16x128xf32, #tpu.memory_space<hbm>>
      %dma_start3A_41 = arith.constant 0 : i32
      %dma_start3A_42 = arith.constant 0 : i32
      %dma_start3A_43 = tpu.memref_slice %arg5[%dma_start3A_41, %dma_start3A_42] : memref<128x128xf32, #tpu.memory_space<vmem>> -> memref<16x128xf32, #tpu.memory_space<vmem>>
      %dma_start3A_44 = arith.constant 9984 : i32
      %dma_start3A_45 = arith.constant 0 : i32
      %dma_start3A_46 = tpu.memref_slice %arg2[%dma_start3A_44, %dma_start3A_45] : memref<10000x128xf32, #tpu.memory_space<hbm>> -> memref<16x128xf32, #tpu.memory_space<hbm>>
      tpu.enqueue_dma source(%dma_start3A_46 : memref<16x128xf32, #tpu.memory_space<hbm>>) target(%dma_start3A_43 : memref<16x128xf32, #tpu.memory_space<vmem>>) target_semaphore(%arg7 : memref<!tpu.dma_semaphore, #tpu.memory_space<semaphore_mem>>)
      %dma_start3A_47 = arith.constant 0 : i32
      %dma_start3A_48 = arith.constant 0 : i32
      %dma_start3A_49 = tpu.memref_slice %arg6[%dma_start3A_47, %dma_start3A_48] : memref<128x128xf32, #tpu.memory_space<vmem>> -> memref<16x128xf32, #tpu.memory_space<vmem>>
      %dma_start3A_50 = arith.constant 9984 : i32
      %dma_start3A_51 = arith.constant 0 : i32
      %dma_start3A_52 = tpu.memref_slice %arg3[%dma_start3A_50, %dma_start3A_51] : memref<10000x128xf32, #tpu.memory_space<hbm>> -> memref<16x128xf32, #tpu.memory_space<hbm>>
      %dma_start3A_53 = arith.constant 0 : i32
      %dma_start3A_54 = arith.constant 0 : i32
      %dma_start3A_55 = tpu.memref_slice %arg6[%dma_start3A_53, %dma_start3A_54] : memref<128x128xf32, #tpu.memory_space<vmem>> -> memref<16x128xf32, #tpu.memory_space<vmem>>
      %dma_start3A_56 = arith.constant 9984 : i32
      %dma_start3A_57 = arith.constant 0 : i32
      %dma_start3A_58 = tpu.memref_slice %arg3[%dma_start3A_56, %dma_start3A_57] : memref<10000x128xf32, #tpu.memory_space<hbm>> -> memref<16x128xf32, #tpu.memory_space<hbm>>
      tpu.enqueue_dma source(%dma_start3A_58 : memref<16x128xf32, #tpu.memory_space<hbm>>) target(%dma_start3A_55 : memref<16x128xf32, #tpu.memory_space<vmem>>) target_semaphore(%arg8 : memref<!tpu.dma_semaphore, #tpu.memory_space<semaphore_mem>>)
      %dma_wait3A = arith.constant 0 : i32
      %dma_wait3A_59 = arith.constant 0 : i32
      %dma_wait3A_60 = tpu.memref_slice %arg5[%dma_wait3A, %dma_wait3A_59] : memref<128x128xf32, #tpu.memory_space<vmem>> -> memref<16x128xf32, #tpu.memory_space<vmem>>
      %dma_wait3A_61 = arith.constant 9984 : i32
      %dma_wait3A_62 = arith.constant 0 : i32
      %dma_wait3A_63 = tpu.memref_slice %arg2[%dma_wait3A_61, %dma_wait3A_62] : memref<10000x128xf32, #tpu.memory_space<hbm>> -> memref<16x128xf32, #tpu.memory_space<hbm>>
      %dma_wait3A_64 = arith.constant 0 : i32
      %dma_wait3A_65 = arith.constant 0 : i32
      %dma_wait3A_66 = tpu.memref_slice %arg5[%dma_wait3A_64, %dma_wait3A_65] : memref<128x128xf32, #tpu.memory_space<vmem>> -> memref<16x128xf32, #tpu.memory_space<vmem>>
      %dma_wait3A_67 = arith.constant 9984 : i32
      %dma_wait3A_68 = arith.constant 0 : i32
      %dma_wait3A_69 = tpu.memref_slice %arg2[%dma_wait3A_67, %dma_wait3A_68] : memref<10000x128xf32, #tpu.memory_space<hbm>> -> memref<16x128xf32, #tpu.memory_space<hbm>>
      tpu.wait_dma2 semaphore(%arg7 : memref<!tpu.dma_semaphore, #tpu.memory_space<semaphore_mem>>) src(%dma_wait3A_69 : memref<16x128xf32, #tpu.memory_space<hbm>>) dst(%dma_wait3A_66 : memref<16x128xf32, #tpu.memory_space<vmem>>)
      %dma_wait3A_70 = arith.constant 0 : i32
      %dma_wait3A_71 = arith.constant 0 : i32
      %dma_wait3A_72 = tpu.memref_slice %arg6[%dma_wait3A_70, %dma_wait3A_71] : memref<128x128xf32, #tpu.memory_space<vmem>> -> memref<16x128xf32, #tpu.memory_space<vmem>>
      %dma_wait3A_73 = arith.constant 9984 : i32
      %dma_wait3A_74 = arith.constant 0 : i32
      %dma_wait3A_75 = tpu.memref_slice %arg3[%dma_wait3A_73, %dma_wait3A_74] : memref<10000x128xf32, #tpu.memory_space<hbm>> -> memref<16x128xf32, #tpu.memory_space<hbm>>
      %dma_wait3A_76 = arith.constant 0 : i32
      %dma_wait3A_77 = arith.constant 0 : i32
      %dma_wait3A_78 = tpu.memref_slice %arg6[%dma_wait3A_76, %dma_wait3A_77] : memref<128x128xf32, #tpu.memory_space<vmem>> -> memref<16x128xf32, #tpu.memory_space<vmem>>
      %dma_wait3A_79 = arith.constant 9984 : i32
      %dma_wait3A_80 = arith.constant 0 : i32
      %dma_wait3A_81 = tpu.memref_slice %arg3[%dma_wait3A_79, %dma_wait3A_80] : memref<10000x128xf32, #tpu.memory_space<hbm>> -> memref<16x128xf32, #tpu.memory_space<hbm>>
      tpu.wait_dma2 semaphore(%arg8 : memref<!tpu.dma_semaphore, #tpu.memory_space<semaphore_mem>>) src(%dma_wait3A_81 : memref<16x128xf32, #tpu.memory_space<hbm>>) dst(%dma_wait3A_78 : memref<16x128xf32, #tpu.memory_space<vmem>>)
      %scan3A = arith.constant 0 : i32
      %scan3A_82 = arith.constant 0 : i32
      %scan3A_83 = arith.constant 16 : i32
      %scan3A_84 = arith.addi %scan3A_82, %scan3A_83 : i32
      %scan3A_85 = arith.constant 1 : i32
      %scan3A_86 = scf.for %scan3A_88 = %scan3A_82 to %scan3A_84 step %scan3A_85 iter_args(%scan3A_89 = %scan3A) -> (i32)  : i32 {
        %get3A = arith.index_cast %scan3A_88 : i32 to index
        %get3A_90 = arith.constant 0 : index
        %get3A_91 = tpu.vector_load %arg6[%get3A, %get3A_90] {strides = array<i32>} : memref<128x128xf32, #tpu.memory_space<vmem>>, vector<1x16xf32>,
        %get3A_92 = vector.shape_cast %get3A_91 : vector<1x16xf32> to vector<16xf32>
        %get3A_93 = arith.index_cast %scan3A_88 : i32 to index
        %get3A_94 = arith.constant 0 : index
        %get3A_95 = tpu.vector_load %arg5[%get3A_93, %get3A_94] {strides = array<i32>} : memref<128x128xf32, #tpu.memory_space<vmem>>, vector<1x16xf32>,
        %get3A_96 = vector.shape_cast %get3A_95 : vector<1x16xf32> to vector<16xf32>
        %sub3A_97 = arith.subf %get3A_92, %get3A_96 : vector<16xf32>
        %swap3A = arith.index_cast %scan3A_88 : i32 to index
        %swap3A_98 = arith.constant 0 : index
        %swap3A_99 = tpu.vector_load %arg6[%swap3A, %swap3A_98] {strides = array<i32>} : memref<128x128xf32, #tpu.memory_space<vmem>>, vector<1x16xf32>,
        %swap3A_100 = vector.shape_cast %swap3A_99 : vector<1x16xf32> to vector<16xf32>
        %swap3A_101 = vector.shape_cast %sub3A_97 : vector<16xf32> to vector<1x16xf32>
        tpu.vector_store %arg6[%swap3A, %swap3A_98], %swap3A_101 {strides = array<i32>} : memref<128x128xf32, #tpu.memory_space<vmem>>, vector<1x16xf32>,
        %get3A_102 = arith.index_cast %scan3A_88 : i32 to index
        %get3A_103 = arith.constant 16 : index
        %get3A_104 = tpu.vector_load %arg6[%get3A_102, %get3A_103] {strides = array<i32>} : memref<128x128xf32, #tpu.memory_space<vmem>>, vector<1x16xf32>,
        %get3A_105 = vector.shape_cast %get3A_104 : vector<1x16xf32> to vector<16xf32>
        %get3A_106 = arith.index_cast %scan3A_88 : i32 to index
        %get3A_107 = arith.constant 16 : index
        %get3A_108 = tpu.vector_load %arg5[%get3A_106, %get3A_107] {strides = array<i32>} : memref<128x128xf32, #tpu.memory_space<vmem>>, vector<1x16xf32>,
        %get3A_109 = vector.shape_cast %get3A_108 : vector<1x16xf32> to vector<16xf32>
        %sub3A_110 = arith.subf %get3A_105, %get3A_109 : vector<16xf32>
        %swap3A_111 = arith.index_cast %scan3A_88 : i32 to index
        %swap3A_112 = arith.constant 16 : index
        %swap3A_113 = tpu.vector_load %arg6[%swap3A_111, %swap3A_112] {strides = array<i32>} : memref<128x128xf32, #tpu.memory_space<vmem>>, vector<1x16xf32>,
        %swap3A_114 = vector.shape_cast %swap3A_113 : vector<1x16xf32> to vector<16xf32>
        %swap3A_115 = vector.shape_cast %sub3A_110 : vector<16xf32> to vector<1x16xf32>
        tpu.vector_store %arg6[%swap3A_111, %swap3A_112], %swap3A_115 {strides = array<i32>} : memref<128x128xf32, #tpu.memory_space<vmem>>, vector<1x16xf32>,
        %get3A_116 = arith.index_cast %scan3A_88 : i32 to index
        %get3A_117 = arith.constant 32 : index
        %get3A_118 = tpu.vector_load %arg6[%get3A_116, %get3A_117] {strides = array<i32>} : memref<128x128xf32, #tpu.memory_space<vmem>>, vector<1x16xf32>,
        %get3A_119 = vector.shape_cast %get3A_118 : vector<1x16xf32> to vector<16xf32>
        %get3A_120 = arith.index_cast %scan3A_88 : i32 to index
        %get3A_121 = arith.constant 32 : index
        %get3A_122 = tpu.vector_load %arg5[%get3A_120, %get3A_121] {strides = array<i32>} : memref<128x128xf32, #tpu.memory_space<vmem>>, vector<1x16xf32>,
        %get3A_123 = vector.shape_cast %get3A_122 : vector<1x16xf32> to vector<16xf32>
        %sub3A_124 = arith.subf %get3A_119, %get3A_123 : vector<16xf32>
        %swap3A_125 = arith.index_cast %scan3A_88 : i32 to index
        %swap3A_126 = arith.constant 32 : index
        %swap3A_127 = tpu.vector_load %arg6[%swap3A_125, %swap3A_126] {strides = array<i32>} : memref<128x128xf32, #tpu.memory_space<vmem>>, vector<1x16xf32>,
        %swap3A_128 = vector.shape_cast %swap3A_127 : vector<1x16xf32> to vector<16xf32>
        %swap3A_129 = vector.shape_cast %sub3A_124 : vector<16xf32> to vector<1x16xf32>
        tpu.vector_store %arg6[%swap3A_125, %swap3A_126], %swap3A_129 {strides = array<i32>} : memref<128x128xf32, #tpu.memory_space<vmem>>, vector<1x16xf32>,
        %get3A_130 = arith.index_cast %scan3A_88 : i32 to index
        %get3A_131 = arith.constant 48 : index
        %get3A_132 = tpu.vector_load %arg6[%get3A_130, %get3A_131] {strides = array<i32>} : memref<128x128xf32, #tpu.memory_space<vmem>>, vector<1x16xf32>,
        %get3A_133 = vector.shape_cast %get3A_132 : vector<1x16xf32> to vector<16xf32>
        %get3A_134 = arith.index_cast %scan3A_88 : i32 to index
        %get3A_135 = arith.constant 48 : index
        %get3A_136 = tpu.vector_load %arg5[%get3A_134, %get3A_135] {strides = array<i32>} : memref<128x128xf32, #tpu.memory_space<vmem>>, vector<1x16xf32>,
        %get3A_137 = vector.shape_cast %get3A_136 : vector<1x16xf32> to vector<16xf32>
        %sub3A_138 = arith.subf %get3A_133, %get3A_137 : vector<16xf32>
        %swap3A_139 = arith.index_cast %scan3A_88 : i32 to index
        %swap3A_140 = arith.constant 48 : index
        %swap3A_141 = tpu.vector_load %arg6[%swap3A_139, %swap3A_140] {strides = array<i32>} : memref<128x128xf32, #tpu.memory_space<vmem>>, vector<1x16xf32>,
        %swap3A_142 = vector.shape_cast %swap3A_141 : vector<1x16xf32> to vector<16xf32>
        %swap3A_143 = vector.shape_cast %sub3A_138 : vector<16xf32> to vector<1x16xf32>
        tpu.vector_store %arg6[%swap3A_139, %swap3A_140], %swap3A_143 {strides = array<i32>} : memref<128x128xf32, #tpu.memory_space<vmem>>, vector<1x16xf32>,
        %get3A_144 = arith.index_cast %scan3A_88 : i32 to index
        %get3A_145 = arith.constant 64 : index
        %get3A_146 = tpu.vector_load %arg6[%get3A_144, %get3A_145] {strides = array<i32>} : memref<128x128xf32, #tpu.memory_space<vmem>>, vector<1x16xf32>,
        %get3A_147 = vector.shape_cast %get3A_146 : vector<1x16xf32> to vector<16xf32>
        %get3A_148 = arith.index_cast %scan3A_88 : i32 to index
        %get3A_149 = arith.constant 64 : index
        %get3A_150 = tpu.vector_load %arg5[%get3A_148, %get3A_149] {strides = array<i32>} : memref<128x128xf32, #tpu.memory_space<vmem>>, vector<1x16xf32>,
        %get3A_151 = vector.shape_cast %get3A_150 : vector<1x16xf32> to vector<16xf32>
        %sub3A_152 = arith.subf %get3A_147, %get3A_151 : vector<16xf32>
        %swap3A_153 = arith.index_cast %scan3A_88 : i32 to index
        %swap3A_154 = arith.constant 64 : index
        %swap3A_155 = tpu.vector_load %arg6[%swap3A_153, %swap3A_154] {strides = array<i32>} : memref<128x128xf32, #tpu.memory_space<vmem>>, vector<1x16xf32>,
        %swap3A_156 = vector.shape_cast %swap3A_155 : vector<1x16xf32> to vector<16xf32>
        %swap3A_157 = vector.shape_cast %sub3A_152 : vector<16xf32> to vector<1x16xf32>
        tpu.vector_store %arg6[%swap3A_153, %swap3A_154], %swap3A_157 {strides = array<i32>} : memref<128x128xf32, #tpu.memory_space<vmem>>, vector<1x16xf32>,
        %get3A_158 = arith.index_cast %scan3A_88 : i32 to index
        %get3A_159 = arith.constant 80 : index
        %get3A_160 = tpu.vector_load %arg6[%get3A_158, %get3A_159] {strides = array<i32>} : memref<128x128xf32, #tpu.memory_space<vmem>>, vector<1x16xf32>,
        %get3A_161 = vector.shape_cast %get3A_160 : vector<1x16xf32> to vector<16xf32>
        %get3A_162 = arith.index_cast %scan3A_88 : i32 to index
        %get3A_163 = arith.constant 80 : index
        %get3A_164 = tpu.vector_load %arg5[%get3A_162, %get3A_163] {strides = array<i32>} : memref<128x128xf32, #tpu.memory_space<vmem>>, vector<1x16xf32>,
        %get3A_165 = vector.shape_cast %get3A_164 : vector<1x16xf32> to vector<16xf32>
        %sub3A_166 = arith.subf %get3A_161, %get3A_165 : vector<16xf32>
        %swap3A_167 = arith.index_cast %scan3A_88 : i32 to index
        %swap3A_168 = arith.constant 80 : index
        %swap3A_169 = tpu.vector_load %arg6[%swap3A_167, %swap3A_168] {strides = array<i32>} : memref<128x128xf32, #tpu.memory_space<vmem>>, vector<1x16xf32>,
        %swap3A_170 = vector.shape_cast %swap3A_169 : vector<1x16xf32> to vector<16xf32>
        %swap3A_171 = vector.shape_cast %sub3A_166 : vector<16xf32> to vector<1x16xf32>
        tpu.vector_store %arg6[%swap3A_167, %swap3A_168], %swap3A_171 {strides = array<i32>} : memref<128x128xf32, #tpu.memory_space<vmem>>, vector<1x16xf32>,
        %get3A_172 = arith.index_cast %scan3A_88 : i32 to index
        %get3A_173 = arith.constant 96 : index
        %get3A_174 = tpu.vector_load %arg6[%get3A_172, %get3A_173] {strides = array<i32>} : memref<128x128xf32, #tpu.memory_space<vmem>>, vector<1x16xf32>,
        %get3A_175 = vector.shape_cast %get3A_174 : vector<1x16xf32> to vector<16xf32>
        %get3A_176 = arith.index_cast %scan3A_88 : i32 to index
        %get3A_177 = arith.constant 96 : index
        %get3A_178 = tpu.vector_load %arg5[%get3A_176, %get3A_177] {strides = array<i32>} : memref<128x128xf32, #tpu.memory_space<vmem>>, vector<1x16xf32>,
        %get3A_179 = vector.shape_cast %get3A_178 : vector<1x16xf32> to vector<16xf32>
        %sub3A_180 = arith.subf %get3A_175, %get3A_179 : vector<16xf32>
        %swap3A_181 = arith.index_cast %scan3A_88 : i32 to index
        %swap3A_182 = arith.constant 96 : index
        %swap3A_183 = tpu.vector_load %arg6[%swap3A_181, %swap3A_182] {strides = array<i32>} : memref<128x128xf32, #tpu.memory_space<vmem>>, vector<1x16xf32>,
        %swap3A_184 = vector.shape_cast %swap3A_183 : vector<1x16xf32> to vector<16xf32>
        %swap3A_185 = vector.shape_cast %sub3A_180 : vector<16xf32> to vector<1x16xf32>
        tpu.vector_store %arg6[%swap3A_181, %swap3A_182], %swap3A_185 {strides = array<i32>} : memref<128x128xf32, #tpu.memory_space<vmem>>, vector<1x16xf32>,
        %get3A_186 = arith.index_cast %scan3A_88 : i32 to index
        %get3A_187 = arith.constant 112 : index
        %get3A_188 = tpu.vector_load %arg6[%get3A_186, %get3A_187] {strides = array<i32>} : memref<128x128xf32, #tpu.memory_space<vmem>>, vector<1x16xf32>,
        %get3A_189 = vector.shape_cast %get3A_188 : vector<1x16xf32> to vector<16xf32>
        %get3A_190 = arith.index_cast %scan3A_88 : i32 to index
        %get3A_191 = arith.constant 112 : index
        %get3A_192 = tpu.vector_load %arg5[%get3A_190, %get3A_191] {strides = array<i32>} : memref<128x128xf32, #tpu.memory_space<vmem>>, vector<1x16xf32>,
        %get3A_193 = vector.shape_cast %get3A_192 : vector<1x16xf32> to vector<16xf32>
        %sub3A_194 = arith.subf %get3A_189, %get3A_193 : vector<16xf32>
        %swap3A_195 = arith.index_cast %scan3A_88 : i32 to index
        %swap3A_196 = arith.constant 112 : index
        %swap3A_197 = tpu.vector_load %arg6[%swap3A_195, %swap3A_196] {strides = array<i32>} : memref<128x128xf32, #tpu.memory_space<vmem>>, vector<1x16xf32>,
        %swap3A_198 = vector.shape_cast %swap3A_197 : vector<1x16xf32> to vector<16xf32>
        %swap3A_199 = vector.shape_cast %sub3A_194 : vector<16xf32> to vector<1x16xf32>
        tpu.vector_store %arg6[%swap3A_195, %swap3A_196], %swap3A_199 {strides = array<i32>} : memref<128x128xf32, #tpu.memory_space<vmem>>, vector<1x16xf32>,
        %scan3A_200 = arith.constant 0 : i32
        scf.yield %scan3A_200 : i32
      }
      %scan3A_87 = arith.constant 16 : i32
      "tpu.region"() ({
        %run_scoped3A = tpu.sem_alloc : memref<!tpu.dma_semaphore, #tpu.memory_space<semaphore_mem>>
        %dma_start3A_88 = arith.constant 0 : i32
        %dma_start3A_89 = arith.constant 0 : i32
        %dma_start3A_90 = tpu.memref_slice %arg6[%dma_start3A_88, %dma_start3A_89] : memref<128x128xf32, #tpu.memory_space<vmem>> -> memref<16x128xf32, #tpu.memory_space<vmem>>
        %dma_start3A_91 = arith.constant 9984 : i32
        %dma_start3A_92 = arith.constant 0 : i32
        %dma_start3A_93 = tpu.memref_slice %arg4[%dma_start3A_91, %dma_start3A_92] : memref<10000x128xf32, #tpu.memory_space<hbm>> -> memref<16x128xf32, #tpu.memory_space<hbm>>
        %dma_start3A_94 = arith.constant 9984 : i32
        %dma_start3A_95 = arith.constant 0 : i32
        %dma_start3A_96 = tpu.memref_slice %arg4[%dma_start3A_94, %dma_start3A_95] : memref<10000x128xf32, #tpu.memory_space<hbm>> -> memref<16x128xf32, #tpu.memory_space<hbm>>
        %dma_start3A_97 = arith.constant 0 : i32
        %dma_start3A_98 = arith.constant 0 : i32
        %dma_start3A_99 = tpu.memref_slice %arg6[%dma_start3A_97, %dma_start3A_98] : memref<128x128xf32, #tpu.memory_space<vmem>> -> memref<16x128xf32, #tpu.memory_space<vmem>>
        tpu.enqueue_dma source(%dma_start3A_99 : memref<16x128xf32, #tpu.memory_space<vmem>>) target(%dma_start3A_96 : memref<16x128xf32, #tpu.memory_space<hbm>>) target_semaphore(%run_scoped3A : memref<!tpu.dma_semaphore, #tpu.memory_space<semaphore_mem>>)
        %dma_wait3A_100 = arith.constant 0 : i32
        %dma_wait3A_101 = arith.constant 0 : i32
        %dma_wait3A_102 = tpu.memref_slice %arg6[%dma_wait3A_100, %dma_wait3A_101] : memref<128x128xf32, #tpu.memory_space<vmem>> -> memref<16x128xf32, #tpu.memory_space<vmem>>
        %dma_wait3A_103 = arith.constant 9984 : i32
        %dma_wait3A_104 = arith.constant 0 : i32
        %dma_wait3A_105 = tpu.memref_slice %arg4[%dma_wait3A_103, %dma_wait3A_104] : memref<10000x128xf32, #tpu.memory_space<hbm>> -> memref<16x128xf32, #tpu.memory_space<hbm>>
        %dma_wait3A_106 = arith.constant 9984 : i32
        %dma_wait3A_107 = arith.constant 0 : i32
        %dma_wait3A_108 = tpu.memref_slice %arg4[%dma_wait3A_106, %dma_wait3A_107] : memref<10000x128xf32, #tpu.memory_space<hbm>> -> memref<16x128xf32, #tpu.memory_space<hbm>>
        %dma_wait3A_109 = arith.constant 0 : i32
        %dma_wait3A_110 = arith.constant 0 : i32
        %dma_wait3A_111 = tpu.memref_slice %arg6[%dma_wait3A_109, %dma_wait3A_110] : memref<128x128xf32, #tpu.memory_space<vmem>> -> memref<16x128xf32, #tpu.memory_space<vmem>>
        tpu.wait_dma2 semaphore(%run_scoped3A : memref<!tpu.dma_semaphore, #tpu.memory_space<semaphore_mem>>) src(%dma_wait3A_111 : memref<16x128xf32, #tpu.memory_space<vmem>>) dst(%dma_wait3A_108 : memref<16x128xf32, #tpu.memory_space<hbm>>)
        tpu.yield
      }) : () -> ()
    } else {
    }
    return
  }
}

module attributes {stable_mosaic.version = 14 : i64} {
  func.func @_out_body(%arg0: i32, %arg1: memref<2000x128xf32, #tpu.memory_space<vmem>>, %arg2: memref<2000x128xf32, #tpu.memory_space<vmem>>, %arg3: memref<256x128xf32, #tpu.memory_space<vmem>>, %arg4: memref<2000x128xf32, #tpu.memory_space<vmem>>, %arg5: memref<2000x128xf32, #tpu.memory_space<vmem>>) attributes {dimension_semantics = [#tpu.dimension_semantics<arbitrary>], iteration_bounds = array<i64: 5>, scalar_prefetch = 0 : i64, scratch_operands = 0 : i64, tpu.core_type = #tpu.core_type<tc>, window_params = [{transform_indices = @transform_0, window_bounds = array<i64: 2000, 128>}, {transform_indices = @transform_1, window_bounds = array<i64: 2000, 128>}, {pipeline_mode = #tpu.pipeline_mode<synchronous>, transform_indices = @transform_2, window_bounds = array<i64: 256, 128>}, {transform_indices = @transform_3, window_bounds = array<i64: 2000, 128>}, {transform_indices = @transform_4, window_bounds = array<i64: 2000, 128>}]} {
    %get3A = arith.constant 0 : index
    %get3A_0 = arith.constant 0 : index
    %get3A_1 = vector.load %arg1[%get3A, %get3A_0] : memref<2000x128xf32, #tpu.memory_space<vmem>>, vector<2000x128xf32>
    %get3A_2 = arith.constant 0 : index
    %get3A_3 = arith.constant 0 : index
    %get3A_4 = vector.load %arg3[%get3A_2, %get3A_3] : memref<256x128xf32, #tpu.memory_space<vmem>>, vector<128x128xf32>
    %dot_general3A = arith.constant dense<0.000000e+00> : vector<2000x128xf32>
    %dot_general3A_5 = tpu.matmul %get3A_1, %get3A_4, %dot_general3A {dimension_numbers = #tpu.dot_dimension_numbers<[1], [0], [0], [1], [0, 0, 1, 1], [], []>, transpose_lhs_hint = false} : vector<2000x128xf32>, vector<128x128xf32>, vector<2000x128xf32> -> vector<2000x128xf32>
    %get3A_6 = arith.constant 0 : index
    %get3A_7 = arith.constant 0 : index
    %get3A_8 = vector.load %arg2[%get3A_6, %get3A_7] : memref<2000x128xf32, #tpu.memory_space<vmem>>, vector<2000x128xf32>
    %get3A_9 = arith.constant 128 : index
    %get3A_10 = arith.constant 0 : index
    %get3A_11 = vector.load %arg3[%get3A_9, %get3A_10] : memref<256x128xf32, #tpu.memory_space<vmem>>, vector<128x128xf32>
    %dot_general3A_12 = arith.constant dense<0.000000e+00> : vector<2000x128xf32>
    %dot_general3A_13 = tpu.matmul %get3A_8, %get3A_11, %dot_general3A_12 {dimension_numbers = #tpu.dot_dimension_numbers<[1], [0], [0], [1], [0, 0, 1, 1], [], []>, transpose_lhs_hint = false} : vector<2000x128xf32>, vector<128x128xf32>, vector<2000x128xf32> -> vector<2000x128xf32>
    %add3A = arith.addf %dot_general3A_5, %dot_general3A_13 : vector<2000x128xf32>
    %get3A_14 = arith.constant 0 : index
    %get3A_15 = arith.constant 0 : index
    %get3A_16 = vector.load %arg4[%get3A_14, %get3A_15] : memref<2000x128xf32, #tpu.memory_space<vmem>>, vector<2000x128xf32>
    %add3A_17 = arith.addf %add3A, %get3A_16 : vector<2000x128xf32>
    %swap3A = arith.constant 0 : index
    %swap3A_18 = arith.constant 0 : index
    %swap3A_19 = vector.load %arg5[%swap3A, %swap3A_18] : memref<2000x128xf32, #tpu.memory_space<vmem>>, vector<2000x128xf32>
    tpu.vector_store %arg5[%swap3A, %swap3A_18], %add3A_17 {strides = array<i32>} : memref<2000x128xf32, #tpu.memory_space<vmem>>, vector<2000x128xf32>,
    return
  }
  func.func @transform_0(%arg0: i32) -> (i32, i32) {
    %c0_i32 = arith.constant 0 : i32
    %c0_i32_0 = arith.constant 0 : i32
    return %arg0, %c0_i32 : i32, i32
  }
  func.func @transform_1(%arg0: i32) -> (i32, i32) {
    %c1_i32 = arith.constant 1 : i32
    %c0_i32 = arith.constant 0 : i32
    return %arg0, %c1_i32 : i32, i32
  }
  func.func @transform_2(%arg0: i32) -> (i32, i32) {
    %c0_i32 = arith.constant 0 : i32
    %c0_i32_0 = arith.constant 0 : i32
    %c0_i32_1 = arith.constant 0 : i32
    return %c0_i32, %c0_i32_0 : i32, i32
  }
  func.func @transform_3(%arg0: i32) -> (i32, i32) {
    %c0_i32 = arith.constant 0 : i32
    %c0_i32_0 = arith.constant 0 : i32
    return %arg0, %c0_i32 : i32, i32
  }
  func.func @transform_4(%arg0: i32) -> (i32, i32) {
    %c0_i32 = arith.constant 0 : i32
    %c0_i32_0 = arith.constant 0 : i32
    return %arg0, %c0_i32 : i32, i32
  }
}

module attributes {stable_mosaic.version = 14 : i64} {
  func.func @_tmp_body(%arg0: i32, %arg1: memref<64x10000xf32, #tpu.memory_space<vmem>>, %arg2: memref<10000x128xf32, #tpu.memory_space<vmem>>, %arg3: memref<64x128xf32, #tpu.memory_space<vmem>>, %arg4: memref<10000x128xbf16, #tpu.memory_space<vmem>>) attributes {dimension_semantics = [#tpu.dimension_semantics<arbitrary>], iteration_bounds = array<i64: 4>, scalar_prefetch = 0 : i64, scratch_operands = 1 : i64, tpu.core_type = #tpu.core_type<tc>, window_params = [{transform_indices = @transform_0, window_bounds = array<i64: 64, 10000>}, {pipeline_mode = #tpu.pipeline_mode<synchronous>, transform_indices = @transform_1, window_bounds = array<i64: 10000, 128>}, {transform_indices = @transform_2, window_bounds = array<i64: 64, 128>}]} {
    %eq3A = arith.constant 0 : i32
    %eq3A_0 = arith.cmpi eq, %arg0, %eq3A : i32
    %convert_element_type3A = arith.extui %eq3A_0 : i1 to i32
    %cond3A = arith.constant 0 : i32
    %cond3A_1 = arith.cmpi ne, %convert_element_type3A, %cond3A : i32
    scf.if %cond3A_1 {
      %get3A_11 = arith.constant 0 : index
      %get3A_12 = arith.constant 0 : index
      %get3A_13 = vector.load %arg2[%get3A_11, %get3A_12] : memref<10000x128xf32, #tpu.memory_space<vmem>>, vector<10000x128xf32>
      %convert_element_type3A_14 = arith.truncf %get3A_13 : vector<10000x128xf32> to vector<10000x128xbf16>
      %swap3A_15 = arith.constant 0 : index
      %swap3A_16 = arith.constant 0 : index
      %swap3A_17 = vector.load %arg4[%swap3A_15, %swap3A_16] : memref<10000x128xbf16, #tpu.memory_space<vmem>>, vector<10000x128xbf16>
      tpu.vector_store %arg4[%swap3A_15, %swap3A_16], %convert_element_type3A_14 {strides = array<i32>} : memref<10000x128xbf16, #tpu.memory_space<vmem>>, vector<10000x128xbf16>,
    } else {
    }
    %get3A = arith.constant 0 : index
    %get3A_2 = arith.constant 0 : index
    %get3A_3 = vector.load %arg1[%get3A, %get3A_2] : memref<64x10000xf32, #tpu.memory_space<vmem>>, vector<64x10000xf32>
    %convert_element_type3A_4 = arith.truncf %get3A_3 : vector<64x10000xf32> to vector<64x10000xbf16>
    %get3A_5 = arith.constant 0 : index
    %get3A_6 = arith.constant 0 : index
    %get3A_7 = vector.load %arg4[%get3A_5, %get3A_6] : memref<10000x128xbf16, #tpu.memory_space<vmem>>, vector<10000x128xbf16>
    %dot_general3A = arith.constant dense<0.000000e+00> : vector<64x128xf32>
    %dot_general3A_8 = tpu.matmul %convert_element_type3A_4, %get3A_7, %dot_general3A {dimension_numbers = #tpu.dot_dimension_numbers<[1], [0], [0], [1], [0, 0, 1, 1], [], []>, transpose_lhs_hint = false} : vector<64x10000xbf16>, vector<10000x128xbf16>, vector<64x128xf32> -> vector<64x128xf32>
    %swap3A = arith.constant 0 : index
    %swap3A_9 = arith.constant 0 : index
    %swap3A_10 = vector.load %arg3[%swap3A, %swap3A_9] : memref<64x128xf32, #tpu.memory_space<vmem>>, vector<64x128xf32>
    tpu.vector_store %arg3[%swap3A, %swap3A_9], %dot_general3A_8 {strides = array<i32>} : memref<64x128xf32, #tpu.memory_space<vmem>>, vector<64x128xf32>,
    return
  }
  func.func @transform_0(%arg0: i32) -> (i32, i32) {
    %c0_i32 = arith.constant 0 : i32
    %c0_i32_0 = arith.constant 0 : i32
    return %arg0, %c0_i32 : i32, i32
  }
  func.func @transform_1(%arg0: i32) -> (i32, i32) {
    %c0_i32 = arith.constant 0 : i32
    %c0_i32_0 = arith.constant 0 : i32
    %c0_i32_1 = arith.constant 0 : i32
    return %c0_i32, %c0_i32_0 : i32, i32
  }
  func.func @transform_2(%arg0: i32) -> (i32, i32) {
    %c0_i32 = arith.constant 0 : i32
    %c0_i32_0 = arith.constant 0 : i32
    return %arg0, %c0_i32 : i32, i32
  }
}

</mosaic_0001>

<sc_bundles>
// kernel: kernel.5.cloned.1.call-start
scs
__scs_entry_jumppad:
0x0: {  	(pc) =	sbr.rel $0x88, $3  }
0x1: {  	(tag) =	ssettag $0x0;
	lr =	simm.s32 $0x1  }
0x2: {  	[smem:$0x3F9D] =	sst lr;
	_ =	strace $0xD0000000  }
0x3: {  	_ = 	snop  }
0x4: {  	_ = 	snop  }
0x5: {  	_ = 	snop  }
0x6: {  	_ = 	snop  }
0x7: {  	_ = 	snop  }
__scs_overlays_trampoline_lowered:
0x8: {  	[smem:$0x3FAC] =	sst s0  }
0x9: {  	[smem:$0x3FAD] =	sst s1  }
0xa: {  	[smem:$0x3FAE] =	sst s2  }
0xb: {  	[smem:$0x3FAF] =	sst s3  }
0xc: {  	[smem:$0x3FB0] =	sst s4  }
0xd: {  	[smem:$0x3FB1] =	sst s5  }
0xe: {  	[smem:$0x3FB2] =	sst s6  }
0xf: {  	[smem:$0x3FB3] =	sst s7  }
0x10: {  	[smem:$0x3FB4] =	sst s8  }
0x11: {  	[smem:$0x3FB5] =	sst s9;
	s0 =	simm.s32 @!p0 $0x0  }
0x12: {  	s1 =	sld [smem:$0x3F9B];
	s0 =	simm.s32 @p0 $0x1  }
0x13: {  	[smem:$0x3FB6] =	sst s0;
	s0 =	simm.s32 @!p1 $0x0  }
0x14: {  	s2 =	sld [smem:$0x3F9A];
	s0 =	simm.s32 @p1 $0x1  }
0x15: {  	[smem:$0x3FB7] =	sst s0;
	s0 =	simm.s32 @!p2 $0x0  }
0x16: {  	s3 =	sld [smem:$0x3FDB];
	s0 =	simm.s32 @p2 $0x1  }
0x17: {  	s4 =	simm.s32 $0x1BF5;
	[smem:$0x3FB9] =	sst s0  }
0x18: {  	s0 =	sld [smem:$0x3F9C];
	_ =	swait.ge [sflag:s4], $0x0  }
0x19: {  	s7 =	sld [smem:$0x3F9D]  }
0x1a: {  	s8 =	sadd.s32 $0xFFFFE003, lr  }
0x1b: {  	s9 =	sadd.s32 $0xFFFFFEF7, lr;
	s5 =	simm.s32 $0xFFFFFFFF;
	p2 =	slt.u32 s8, $0xFFFFF086  }
0x1c: {  	p1 =	slt.u32 s9, $0xF7A;
	s5 =	simm.s32 @!p2 $0x0  }
0x1d: {  	s5 =	simm.s32 @p1 $0x1;
	p0 =	seq.s32 s7, s2  }
0x1e: {  	s7 =	smul.u32 @!p0 $0xF7A, s2;
	p2 =	seq.s32 @!p0 s5, $0x0  }
0x1f: {  	s9 =	smul.u32 $0xF7A, s1;
	s8 =	simm.s32 @!p0 $0x1BF5;
	p2 =	por !p2, p0  }
0x20: {  	[sflag:s8] =	ssyncset.s32 @!p0 $0xFFFFF086;
	s6 =	sadd.s32 @!p0 s3, s7;
	s7 =	simm.s32 @!p0 $0x108  }
0x21: {  	s3 =	sadd.s32 s3, s9;
	s6 =	sadd.s32 @!p0 $0x88, s6;
	s7 =	simm.s32 @p2 $0x1082  }
0x22: {  	[simem:s7], [sflag:s8] =	dma.local @!p0 [hbm:s6], $0xF7A  }
0x23: {  	s9 =	sor.u32 $0xD0000000, s2;
	s6 =	simm.s32 $0x108;
	_ =	swait.ge @!p0 [sflag:s8], $0x0  }
0x24: {  	s3 =	sadd.s32 $0x88, s3;
	s6 =	simm.s32 @!p1 $0x1082;
	[sflag:s4] =	ssyncset.s32 $0xFFFFF086  }
0x25: {  	[simem:s6], [sflag:s4] =	dma.local [hbm:s3], $0xF7A  }
0x26: {  	[smem:$0x3F9D] =	sst s1;
	(tag) =	ssettag s2;
	_ =	strace s9  }
0x27: {  	s1 =	sld [smem:$0x3FAD]  }
0x28: {  	s2 =	sld [smem:$0x3FAE]  }
0x29: {  	s4 =	sld [smem:$0x3FB0]  }
0x2a: {  	p0 =	seq.s32 s5, $0x0;
	s5 =	sld [smem:$0x3FB1]  }
0x2b: {  	s6 =	sld [smem:$0x3FB2]  }
0x2c: {  	s7 =	sld [smem:$0x3FB3]  }
0x2d: {  	s3 =	simm.s32 $0x108;
	s8 =	sld [smem:$0x3FB4]  }
0x2e: {  	s3 =	simm.s32 @!p0 $0x1082;
	s9 =	sld [smem:$0x3FB5]  }
0x2f: {  	lr =	sadd.s32 s0, s3;
	s0 =	sld [smem:$0x3FAC]  }
0x30: {  	s3 =	sld [smem:$0x3FAF]  }
0x31: {  	[smem:$0x3FB8] =	sst s10  }
0x32: {  	s10 =	sld [smem:$0x3FB6];
	_ =	sdelay $0x3  }
0x33: {  	p0 =	seq.s32 s10, $0x1;
	s10 =	sld [smem:$0x3FB8];
	_ =	sdelay $0x3  }
0x34: {  	[smem:$0x3FB8] =	sst s10  }
0x35: {  	s10 =	sld [smem:$0x3FB7];
	_ =	sdelay $0x3  }
0x36: {  	p1 =	seq.s32 s10, $0x1;
	s10 =	sld [smem:$0x3FB8];
	_ =	sdelay $0x3  }
0x37: {  	[smem:$0x3FB8] =	sst s10  }
0x38: {  	s10 =	sld [smem:$0x3FB9]  }
0x39: {  	_ = 	snop;
	(pc) =	sbr.ind lr, $3  }
0x3a: {  	_ = 	snop  }
0x3b: {  	_ = 	snop  }
0x3c: {  	p2 =	seq.s32 s10, $0x1;
	s10 =	sld [smem:$0x3FB8]  }
0x3d: {  	_ =	shalt  }
0x3e: {  	_ =	shalt  }
0x3f: {  	_ =	shalt  }
0x40: {  	_ =	shalt  }
0x41: {  	_ =	shalt  }
0x42: {  	_ =	shalt  }
0x43: {  	_ =	shalt  }
0x44: {  	_ =	shalt  }
0x45: {  	_ =	shalt  }
0x46: {  	_ =	shalt  }
0x47: {  	_ =	shalt  }
0x48: {  	_ =	shalt  }
0x49: {  	_ =	shalt  }
0x4a: {  	_ =	shalt  }
0x4b: {  	_ =	shalt  }
0x4c: {  	_ =	shalt  }
0x4d: {  	_ =	shalt  }
0x4e: {  	_ =	shalt  }
0x4f: {  	_ =	shalt  }
0x50: {  	_ =	shalt  }
0x51: {  	_ =	shalt  }
0x52: {  	_ =	shalt  }
0x53: {  	_ =	shalt  }
0x54: {  	_ =	shalt  }
0x55: {  	_ =	shalt  }
0x56: {  	_ =	shalt  }
0x57: {  	_ =	shalt  }
0x58: {  	_ =	shalt  }
0x59: {  	_ =	shalt  }
0x5a: {  	_ =	shalt  }
0x5b: {  	_ =	shalt  }
0x5c: {  	_ =	shalt  }
0x5d: {  	_ =	shalt  }
0x5e: {  	_ =	shalt  }
0x5f: {  	_ =	shalt  }
0x60: {  	_ =	shalt  }
0x61: {  	_ =	shalt  }
0x62: {  	_ =	shalt  }
0x63: {  	_ =	shalt  }
0x64: {  	_ =	shalt  }
0x65: {  	_ =	shalt  }
0x66: {  	_ =	shalt  }
0x67: {  	_ =	shalt  }
0x68: {  	_ =	shalt  }
0x69: {  	_ =	shalt  }
0x6a: {  	_ =	shalt  }
0x6b: {  	_ =	shalt  }
0x6c: {  	_ =	shalt  }
0x6d: {  	_ =	shalt  }
0x6e: {  	_ =	shalt  }
0x6f: {  	_ =	shalt  }
0x70: {  	_ =	shalt  }
0x71: {  	_ =	shalt  }
0x72: {  	_ =	shalt  }
0x73: {  	_ =	shalt  }
0x74: {  	_ =	shalt  }
0x75: {  	_ =	shalt  }
0x76: {  	_ =	shalt  }
0x77: {  	_ =	shalt  }
0x78: {  	_ =	shalt  }
0x79: {  	_ =	shalt  }
0x7a: {  	_ =	shalt  }
0x7b: {  	_ =	shalt  }
0x7c: {  	_ =	shalt  }
0x7d: {  	_ =	shalt  }
0x7e: {  	_ =	shalt  }
0x7f: {  	_ =	shalt  }
0x80: {  	_ =	shalt  }
0x81: {  	_ =	shalt  }
0x82: {  	_ =	shalt  }
0x83: {  	_ =	shalt  }
0x84: {  	_ =	shalt  }
0x85: {  	_ =	shalt  }
0x86: {  	_ =	shalt  }
0x87: {  	_ =	shalt  }
.Lfunc_end0:
.L_simem_size_0:
called_computation_lowered:
.L_overlay_start_0:
0x88: {  	s2 =	sld [smem:$0x3FD9]  }
0x89: {  	s3 =	sld [smem:$0x3FFE];
	_ =	sdelay $0x1  }
0x8a: {  	s1 =	srdreg.scid  }
0x8b: {  	s0 =	sand.u32 $0x1, s1  }
0x8c: {  	s18 =	sshll.u32 s0, $0xA;
	s2 =	sadd.s32 s3, s2  }
0x8d: {  	s2 =	sadd.s32 s2, s18  }
0x8e: {  	[smem:$0x3FC4] =	sst s2  }
0x8f: {  	_ = 	snop  }
0x90: {  	s2 =	sld [smem:$0x3FC9]  }
0x91: {  	s19 =	sld [smem:$0x3FC6]  }
0x92: {  	s4 =	sld [smem:$0x3FD0];
	(tm) =	ssettm $0x1  }
0x93: {  	s5 =	sld [smem:$0x3FFB];
	_ =	sdelay $0x3  }
0x94: {  	_ =	strace s5  }
0x95: {  	s5 =	sld [smem:$0x3FFC];
	_ =	sdelay $0x3  }
0x96: {  	_ =	strace s5  }
0x97: {  	s5 =	sld [smem:$0x3FFD];
	_ =	sdelay $0x3  }
0x98: {  	_ =	strace s5  }
0x99: {  	_ =	strace $0x8FFFFFFF  }
0x9a: {  	s20 =	sld [smem:$0x3FDB];
	_ =	sdelay $0x1  }
0x9b: {  	s6 =	simm.s32 $_scs_section_size  }
0x9c: {  	s7 =	simm.s32 $_size__tile_overlayer_lowered;
	s8 =	simm.s32 $_tile_overlayer_lowered  }
0x9d: {  	s23 =	simm.s32 $0x1BFF;
	s22 =	sshll.u32 s8, $0x1;
	s5 =	sadd.s32 s6, s20  }
0x9e: {  	s9 =	simm.s32 $0x0;
	s21 =	sshll.u32 s7, $0x1;
	s7 =	sadd.s32 s22, s5  }
0x9f: {  	[timem:s9], [sflag:s23] =	dma.local [hbm:s7], s21  }
0xa0: {  	_ =	swait.ge [sflag:s23], s21  }
0xa1: {  	s6 =	ssub.s32 $0x0, s21;
	[sflag:s23] =	ssyncset.done $0x0  }
0xa2: {  	[sflag:s23] =	ssyncadd.s32 s6;
	_ =	sdelay $0x1  }
0xa3: {  	s24 =	simm.s32 $0x1B8B  }
0xa4: {  	_ =	swait.ge [sflag:s24], $0x1  }
0xa5: {  	[sflag:s24] =	ssyncset.done $0x0  }
0xa6: {  	s25 =	simm.s32 $0x1B8E;
	[sflag:s24] =	ssyncadd.s32 $0xFFFFFFFF  }
0xa7: {  	s26 =	simm.s32 $execute0_lowered;
	[smem:$0x3FD2] =	sst s25  }
0xa8: {  	s6 =	sshll.u32 s26, $0x1;
	_ =	strace $0x80000046;
	[dreg:$0x1] =	wrdreg $0xFFFFFFFF  }
0xa9: {  	s28 =	simm.s32 $_size_execute0_lowered;
	s5 =	sadd.s32 s5, s6;
	[dreg:$0x0] =	wrdreg $0x0  }
0xaa: {  	s6 =	sshll.u32 s28, $0x1;
	[dreg:$0x2] =	wrdreg s5  }
0xab: {  	[dreg:$0x3] =	wrdreg s6  }
0xac: {  	[dreg:$0x4] =	wrdreg $0xC0  }
0xad: {  	_ =	task [dreg:s9], $0x5FFFF  }
0xae: {  	[dreg:$0x1] =	wrdreg $0xFFFFFFFF  }
0xaf: {  	[dreg:$0x0] =	wrdreg $0x60  }
0xb0: {  	[dreg:$0x2] =	wrdreg s2  }
0xb1: {  	[dreg:$0x3] =	wrdreg s19  }
0xb2: {  	[dreg:$0x4] =	wrdreg s4  }
0xb3: {  	[dreg:$0x5] =	wrdreg $0x9  }
0xb4: {  	_ =	task.clear_ibuf [dreg:s9], $0x6FFFF;
	_ =	strace $0x90000046  }
0xb5: {  	s29 =	simm.s32 $0x9;
	_ =	strace $0x80000048  }
0xb6: {  	_ =	swait.ge [sflag:s29], $0x1  }
0xb7: {  	[sflag:s29] =	ssyncadd.s32 $0xFFFFFFFF  }
0xb8: {  	_ =	strace $0x90000048  }
0xb9: {  	_ =	sfence  }
0xba: {  	s30 =	sld [smem:$0x0];
	_ =	sdelay $0x2  }
0xbb: {  	s31 =	sshll.u32 s1, $0xD;
	s1 =	sshrl.u32 s1, $0x2  }
0xbc: {  	s3 =	sand.u32 $0x4000, s31;
	s1 =	sadd.s32 s1, s30  }
0xbd: {  	s0 =	sor.u32 s3, s0;
	s1 =	sshll.u32 s1, $0x11  }
0xbe: {  	s0 =	sor.u32 s1, s0  }
0xbf: {  	s0 =	sadd.s32 $0x8F2B, s0  }
0xc0: {  	[sflag:s0] =	ssyncadd.remote.s32 $0x1  }
0xc1: {  	_ =	sfence.sel $0xFFFF  }
0xc2: {  	[dreg:$0x0] =	wrdreg $0xFFFFFFFF;
	(pc) =	sbr.abs _section_cstart, $3  }
0xc3: {  	[dreg:$0x1] =	wrdreg $0xFFFFFFFF  }
0xc4: {  	_ =	task.clear_ibuf [dreg:s9], $0x2FFFF;
	_ =	strace $0x9FFFFFFF  }
0xc5: {  	(tm) =	ssettm $0x7FFFFFFF  }
tec
execute0_lowered:
.L_overlay_start_1:
0x0: {  	(tag) =	ssettag $0x1  }
0x1: {  	s1 =	rddreg [dreg:$0x0]  }
0x2: {  	s3 =	rddreg [dreg:$0x1]  }
0x3: {  	s4 =	rddreg [dreg:$0x2]  }
0x4: {  	s5 =	srdreg.scid;
	s0 =	rddreg [dreg:$0x3]  }
0x5: {  	s2 =	stileid.u32;
	s12 =	simm.s32 $0x4000;
	s13 =	simm.s32 $0x1  }
0x6: {  	s14 =	simm.s32 $0x2;
	s15 =	simm.s32 $0x3;
	s6 =	sand.u32 $0x1, s5  }
0x7: {  	s5 =	simm.s32 $0x0;
	s8 =	sshll.u32 s2, $0x1;
	s7 =	ssub.s32 $0x2, s6  }
.Ltmp0:
0x8: {  	[smem:$0x7FF] =	sst s5;
	s16 =	sor.u32 s6, s8;
	(pc) =	sbr.rel .LBB2_1-.Ltmp0, $4  }
0x9: {  	s8 =	sadd.s32 $0x27000, s3;
	s9 =	sshrl.u32 s7, $0x1;
	_ =	strace $0x80000047  }
0xa: {  	s6 =	sshll.u32 s16, $0xE;
	s10 =	ssub.s32 $0x6D, s16;
	p0 =	sne.s32 s16, $0x1F  }
0xb: {  	s16 =	simm.s32 $0x0;
	s11 =	ssub.s32 s7, s9;
	s7 =	sadd.s32 $0x27000, s1  }
0xc: {  	s9 =	sadd.s32 $0x27000, s4;
	s10 =	sshrl.u32 s10, $0x5;
	s11 =	smax.u32 s11, $0x1  }
.LBB2_9:
0xd: {  	s16 =	sadd.s32 $0x1, s16  }
0xe: {  	p1 =	sne.s32 s16, s11  }
.Ltmp1:
0xf: {  	_ = 	snop;
	(pc) =	sbr.rel @!p1 .LBB2_10-.Ltmp1, $1  }
0x10: {  	_ =	sdelay $0x3  }
.LBB2_1:
0x11: {  	s17 =	simm.s32 $0x0  }
.LBB2_2:
0x12: {  	s18 =	sshll.u32 s17, $0x13  }
0x13: {  	s18 =	sor.u32 s6, s18  }
0x14: {  	s18 =	sshrl.u32 s18, $0x3  }
0x15: {  	s20 =	simm.s32 $0x0;
	s19 =	sadd.s32 s1, s18  }
0x16: {  	[tilespmem:s20], [sflag:$0x1] =	stream.linear.gather [hbm4b:s19+s20], $0x4000, $0x38;
	[tilespmem:$0x8000] =	vst v63  }
0x17: {  	s31 =	sadd.s32 s3, s18  }
0x18: {  	[tilespmem:s12], [sflag:$0x2] =	stream.linear.gather [hbm4b:s31+s20], $0x4000, $0x38;
	[tilespmem:$0x8000] =	vst v63  }
0x19: {  	_ =	swait.ge [sflag:s13], $0x4000  }
0x1a: {  	[sflag:s13] =	ssyncset.done $0x0  }
0x1b: {  	[sflag:s13] =	ssyncadd.s32 $0xFFFFC000  }
0x1c: {  	_ =	swait.ge [sflag:s14], $0x4000  }
0x1d: {  	[sflag:s14] =	ssyncset.done $0x0  }
0x1e: {  	s19 =	simm.s32 $0x0;
	[sflag:s14] =	ssyncadd.s32 $0xFFFFC000  }
0x1f: {  	v7 =	vld [tilespmem:s19+$0x0]  }
0x20: {  	v11 =	vld [tilespmem:s19+$0x10]  }
0x21: {  	v5 =	vld [tilespmem:s19+$0x20]  }
0x22: {  	v4 =	vld [tilespmem:s19+$0x30]  }
0x23: {  	v3 =	vld [tilespmem:s19+$0x40]  }
0x24: {  	v2 =	vld [tilespmem:s19+$0x50]  }
0x25: {  	v1 =	vld [tilespmem:s19+$0x60]  }
0x26: {  	v0 =	vld [tilespmem:s19+$0x70]  }
0x27: {  	v12 =	vld [tilespmem:s19+$0x4000]  }
0x28: {  	v13 =	vld [tilespmem:s19+$0x4010]  }
0x29: {  	v10 =	vld [tilespmem:s19+$0x4020]  }
0x2a: {  	v9 =	vld [tilespmem:s19+$0x4030]  }
0x2b: {  	v8 =	vld [tilespmem:s19+$0x4040]  }
0x2c: {  	v6 =	vld [tilespmem:s19+$0x4050];
	v12 =	vsub.f32 v12, v7  }
0x2d: {  	s20 =	simm.s32 $0x200;
	v11 =	vsub.f32 v13, v11;
	v7 =	vld [tilespmem:s19+$0x4060]  }
.LBB2_3:
0x2e: {  	s21 =	sshra.s32 s20, $0x2;
	p1 =	sne.s32 s20, $0xFE00;
	[tilespmem:s19+$0x4000] =	vst v12;
	v5 =	vsub.f32 v10, v5;
	v10 =	vld [tilespmem:s19+$0x4070]  }
0x2f: {  	v12 =	vld [tilespmem:s21+$0x0];
	[tilespmem:s19+$0x4010] =	vst v11;
	v4 =	vsub.f32 v9, v4  }
0x30: {  	v11 =	vld [tilespmem:s21+$0x10];
	[tilespmem:s19+$0x4020] =	vst v5;
	v3 =	vsub.f32 v8, v3  }
0x31: {  	v5 =	vld [tilespmem:s21+$0x20];
	[tilespmem:s19+$0x4030] =	vst v4;
	v2 =	vsub.f32 v6, v2  }
0x32: {  	v4 =	vld [tilespmem:s21+$0x30];
	[tilespmem:s19+$0x4040] =	vst v3;
	v1 =	vsub.f32 v7, v1  }
0x33: {  	v3 =	vld [tilespmem:s21+$0x40];
	[tilespmem:s19+$0x4050] =	vst v2;
	v0 =	vsub.f32 v10, v0  }
0x34: {  	v2 =	vld [tilespmem:s21+$0x50];
	[tilespmem:s19+$0x4060] =	vst v1  }
0x35: {  	v1 =	vld [tilespmem:s21+$0x60];
	[tilespmem:s19+$0x4070] =	vst v0;
	s19 =	smov.u32 s21  }
0x36: {  	v0 =	vld [tilespmem:s19+$0x70]  }
0x37: {  	v6 =	vld [tilespmem:s19+$0x4000]  }
0x38: {  	v7 =	vld [tilespmem:s19+$0x4010]  }
.Ltmp2:
0x39: {  	v10 =	vld [tilespmem:s19+$0x4020];
	(pc) =	sbr.rel @p1 .LBB2_3-.Ltmp2, $4  }
0x3a: {  	v9 =	vld [tilespmem:s19+$0x4030]  }
0x3b: {  	v8 =	vld [tilespmem:s19+$0x4040]  }
0x3c: {  	v12 =	vsub.f32 v6, v12;
	v6 =	vld [tilespmem:s19+$0x4050]  }
0x3d: {  	s20 =	sadd.s32 $0x200, s20;
	v11 =	vsub.f32 v7, v11;
	v7 =	vld [tilespmem:s19+$0x4060]  }
0x3e: {  	[tilespmem:s19+$0x4000] =	vst v12;
	v5 =	vsub.f32 v10, v5;
	v63 =	vld [tilespmem:s19+$0x4070]  }
0x3f: {  	[tilespmem:s19+$0x4010] =	vst v11;
	v4 =	vsub.f32 v9, v4  }
0x40: {  	[tilespmem:s19+$0x4020] =	vst v5;
	v3 =	vsub.f32 v8, v3  }
0x41: {  	[tilespmem:s19+$0x4030] =	vst v4;
	v2 =	vsub.f32 v6, v2  }
0x42: {  	[tilespmem:s19+$0x4040] =	vst v3;
	v1 =	vsub.f32 v7, v1  }
0x43: {  	s17 =	sadd.s32 $0x1, s17;
	[tilespmem:s19+$0x4050] =	vst v2;
	v0 =	vsub.f32 v63, v0  }
0x44: {  	p1 =	sne.s32 s17, s10;
	[tilespmem:s19+$0x4060] =	vst v1  }
.Ltmp3:
0x45: {  	s18 =	sadd.s32 s4, s18;
	[tilespmem:s19+$0x4070] =	vst v0;
	(pc) =	sbr.rel @p1 .LBB2_2-.Ltmp3, $4  }
0x46: {  	[hbm4b:s18+s5] =	stream.linear.scatter [tilespmem:s12], [sflag:$0x3], $0x4000, $0x38;
	[tilespmem:$0x8000] =	vst v63  }
0x47: {  	_ =	swait.ge [sflag:s15], $0x4000  }
0x48: {  	[sflag:s15] =	ssyncset.done $0x0  }
0x49: {  	[sflag:s15] =	ssyncadd.s32 $0xFFFFC000  }
.Ltmp4:
0x4a: {  	(pc) =	sbr.rel @p0 .LBB2_9-.Ltmp4, $1  }
0x4b: {  	_ =	sdelay $0x3  }
0x4c: {  	s17 =	simm.s32 $0x0  }
0x4d: {  	[tilespmem:s17], [sflag:$0x1] =	stream.linear.gather [hbm4b:s7+s17], $0x800, $0x38;
	[tilespmem:$0x8000] =	vst v63  }
0x4e: {  	_ = 	snop  }
0x4f: {  	[tilespmem:s12], [sflag:$0x2] =	stream.linear.gather [hbm4b:s8+s17], $0x800, $0x38;
	[tilespmem:$0x8000] =	vst v63  }
0x50: {  	_ =	swait.ge [sflag:s13], $0x800  }
0x51: {  	[sflag:s13] =	ssyncset.done $0x0  }
0x52: {  	[sflag:s13] =	ssyncadd.s32 $0xFFFFF800  }
0x53: {  	_ =	swait.ge [sflag:s14], $0x800  }
0x54: {  	[sflag:s14] =	ssyncset.done $0x0  }
0x55: {  	s17 =	simm.s32 $0x0;
	[sflag:s14] =	ssyncadd.s32 $0xFFFFF800  }
0x56: {  	v7 =	vld [tilespmem:s17+$0x0]  }
0x57: {  	v11 =	vld [tilespmem:s17+$0x10]  }
0x58: {  	v5 =	vld [tilespmem:s17+$0x20]  }
0x59: {  	v4 =	vld [tilespmem:s17+$0x30]  }
0x5a: {  	v3 =	vld [tilespmem:s17+$0x40]  }
0x5b: {  	v2 =	vld [tilespmem:s17+$0x50]  }
0x5c: {  	v1 =	vld [tilespmem:s17+$0x60]  }
0x5d: {  	v0 =	vld [tilespmem:s17+$0x70]  }
0x5e: {  	v12 =	vld [tilespmem:s17+$0x4000]  }
0x5f: {  	v13 =	vld [tilespmem:s17+$0x4010]  }
0x60: {  	v10 =	vld [tilespmem:s17+$0x4020]  }
0x61: {  	v9 =	vld [tilespmem:s17+$0x4030]  }
0x62: {  	v8 =	vld [tilespmem:s17+$0x4040]  }
0x63: {  	v6 =	vld [tilespmem:s17+$0x4050];
	v12 =	vsub.f32 v12, v7  }
0x64: {  	s18 =	simm.s32 $0x200;
	v11 =	vsub.f32 v13, v11;
	v7 =	vld [tilespmem:s17+$0x4060]  }
.LBB2_7:
0x65: {  	s19 =	sshra.s32 s18, $0x2;
	p1 =	sne.s32 s18, $0x1E00;
	[tilespmem:s17+$0x4000] =	vst v12;
	v5 =	vsub.f32 v10, v5;
	v10 =	vld [tilespmem:s17+$0x4070]  }
0x66: {  	v12 =	vld [tilespmem:s19+$0x0];
	[tilespmem:s17+$0x4010] =	vst v11;
	v4 =	vsub.f32 v9, v4  }
0x67: {  	v11 =	vld [tilespmem:s19+$0x10];
	[tilespmem:s17+$0x4020] =	vst v5;
	v3 =	vsub.f32 v8, v3  }
0x68: {  	v5 =	vld [tilespmem:s19+$0x20];
	[tilespmem:s17+$0x4030] =	vst v4;
	v2 =	vsub.f32 v6, v2  }
0x69: {  	v4 =	vld [tilespmem:s19+$0x30];
	[tilespmem:s17+$0x4040] =	vst v3;
	v1 =	vsub.f32 v7, v1  }
0x6a: {  	v3 =	vld [tilespmem:s19+$0x40];
	[tilespmem:s17+$0x4050] =	vst v2;
	v0 =	vsub.f32 v10, v0  }
0x6b: {  	v2 =	vld [tilespmem:s19+$0x50];
	[tilespmem:s17+$0x4060] =	vst v1  }
0x6c: {  	v1 =	vld [tilespmem:s19+$0x60];
	[tilespmem:s17+$0x4070] =	vst v0;
	s17 =	smov.u32 s19  }
0x6d: {  	v0 =	vld [tilespmem:s17+$0x70]  }
0x6e: {  	v6 =	vld [tilespmem:s17+$0x4000]  }
0x6f: {  	v7 =	vld [tilespmem:s17+$0x4010]  }
.Ltmp5:
0x70: {  	v10 =	vld [tilespmem:s17+$0x4020];
	(pc) =	sbr.rel @p1 .LBB2_7-.Ltmp5, $4  }
0x71: {  	v9 =	vld [tilespmem:s17+$0x4030]  }
0x72: {  	v8 =	vld [tilespmem:s17+$0x4040]  }
0x73: {  	v12 =	vsub.f32 v6, v12;
	v6 =	vld [tilespmem:s17+$0x4050]  }
0x74: {  	s18 =	sadd.s32 $0x200, s18;
	v11 =	vsub.f32 v7, v11;
	v7 =	vld [tilespmem:s17+$0x4060]  }
0x75: {  	[tilespmem:s17+$0x4000] =	vst v12;
	v5 =	vsub.f32 v10, v5;
	v63 =	vld [tilespmem:s17+$0x4070]  }
0x76: {  	[tilespmem:s17+$0x4010] =	vst v11;
	v4 =	vsub.f32 v9, v4  }
0x77: {  	[tilespmem:s17+$0x4020] =	vst v5;
	v3 =	vsub.f32 v8, v3  }
0x78: {  	[tilespmem:s17+$0x4030] =	vst v4;
	v2 =	vsub.f32 v6, v2  }
0x79: {  	[tilespmem:s17+$0x4040] =	vst v3;
	v1 =	vsub.f32 v7, v1  }
0x7a: {  	[tilespmem:s17+$0x4050] =	vst v2;
	v0 =	vsub.f32 v63, v0  }
0x7b: {  	[tilespmem:s17+$0x4060] =	vst v1  }
.Ltmp6:
0x7c: {  	[tilespmem:s17+$0x4070] =	vst v0;
	(pc) =	sbr.rel .LBB2_9-.Ltmp6, $4  }
0x7d: {  	[hbm4b:s9+s5] =	stream.linear.scatter [tilespmem:s12], [sflag:$0x3], $0x800, $0x38;
	[tilespmem:$0x8000] =	vst v63  }
0x7e: {  	_ =	swait.ge [sflag:s15], $0x800  }
0x7f: {  	[sflag:s15] =	ssyncset.done $0x0  }
0x80: {  	[sflag:s15] =	ssyncadd.s32 $0xFFFFF800  }
.LBB2_10:
0x81: {  	_ =	sfence.sel $0x180000  }
0x82: {  	[bflag:$0x0] =	sbarrier.arrive $0xFFFF  }
0x83: {  	p0 =	sne.s32 s2, $0x0;
	_ =	strace $0x90000047  }
0x84: {  	s0 =	sadd.s32 @!p0 $0x100000, s0;
	[bflag:$0x2] =	sbarrier.arrive $0xFFFF  }
0x85: {  	[sflag:s0] =	ssyncadd.tile.s32 @!p0 $0x1;
	_ =	shalt  }
.Lfunc_end2:
_tile_overlayer_lowered:
.L_overlay_start_2:
0x86: {  	(tag) =	ssettag $0x2  }
0x87: {  	s0 =	rddreg [dreg:$0x0];
	s2 =	stileid.u32  }
0x88: {  	s1 =	rddreg [dreg:$0x1];
	p0 =	sne.s32 s2, $0x0  }
0x89: {  	s3 =	rddreg [dreg:$0x2];
	[bflag:$0x3] =	sbarrier.arrive $0xFFFF;
	s2 =	simm.s32 @!p0 $0x1C03  }
0x8a: {  	[timem:s3], [sflag:s2] =	dma.local @!p0 [hbm:s0], s1  }
0x8b: {  	s0 =	simm.s32 @!p0 $0x3  }
0x8c: {  	_ =	swait.ge @!p0 [sflag:s0], s1  }
0x8d: {  	s1 =	ssub.s32 @!p0 $0x0, s1;
	[sflag:s0] =	ssyncset.done @!p0 $0x0  }
0x8e: {  	[sflag:s0] =	ssyncadd.s32 @!p0 s1  }
0x8f: {  	[bflag:$0x3] =	sbarrier.arrive $0xFFFF  }
0x90: {  	_ =	shalt  }

</sc_bundles>
